<compile_context>
chip_gen: v7x
topology: tpu7x:2x2x1
jax: 0.10.2.dev20260603
libtpu: 0.0.44.dev20260713+nightly
codegen_flags: <defaults>
</compile_context>

<pallas_src>
import functools

import jax
import jax.numpy as jnp
from jax import lax
from jax.experimental import pallas as pl
from jax.experimental.pallas import tpu as pltpu
from jax.experimental.pallas import tpu_sc as plsc

T = 2048
D = 768
G = 8
EPG = 8
E = 64
F = 512
GK = 2
K = 2
NSLOT = GK * K
P = T * NSLOT
BT = 256
NBLK = P // BT + E
PMAX = NBLK * BT
EPS = 1e-9
RMS_EPS = 1e-6

_NW = 32
_PPW = P // _NW
_CH = 64


def _top2(logits):
    m = jnp.max(logits, axis=-1, keepdims=True)
    ex = jnp.exp(logits - m)
    z = jnp.sum(ex, axis=-1, keepdims=True)
    sm = ex / z
    n = logits.shape[-1]
    lane = lax.broadcasted_iota(jnp.int32, logits.shape, 1)
    v1 = jnp.max(sm, axis=-1, keepdims=True)
    i1 = jnp.min(jnp.where(sm == v1, lane, n), axis=-1, keepdims=True)
    sm2 = jnp.where(lane == i1, -1.0, sm)
    v2 = jnp.max(sm2, axis=-1, keepdims=True)
    i2 = jnp.min(jnp.where(sm2 == v2, lane, n), axis=-1, keepdims=True)
    return v1, i1, v2, i2


def _select_by_group(mi, vals):
    acc = jnp.zeros_like(vals[0])
    for g in range(G):
        acc = acc + jnp.where(mi == g, vals[g], jnp.zeros_like(vals[g]))
    return acc


def _cumsum_rows(x):
    n, _ = x.shape
    bs = 128
    lt = (lax.broadcasted_iota(jnp.int32, (bs, bs), 1)
          <= lax.broadcasted_iota(jnp.int32, (bs, bs), 0)).astype(jnp.float32)
    prefix = jnp.zeros((1, x.shape[1]), jnp.float32)
    blocks = []
    for b in range(n // bs):
        blk = jnp.dot(lt, x[b * bs:(b + 1) * bs, :],
                      preferred_element_type=jnp.float32) + prefix
        blocks.append(blk)
        prefix = blk[bs - 1:bs, :]
    return jnp.concatenate(blocks, axis=0)


def _routing_body(x_ref, g_ref, wm_ref, wu_ref,
                  zn_ref, dest_ref, wgt_ref, be_ref, act_ref):
    x = x_ref[...]
    zn = x * lax.rsqrt(jnp.mean(x * x, axis=-1, keepdims=True) + RMS_EPS)
    zn = zn * g_ref[...]
    zn_ref[...] = zn

    ml = jnp.dot(zn, wm_ref[...], preferred_element_type=jnp.float32)
    mv1, mi1, mv2, mi2 = _top2(ml)
    mden = mv1 + mv2 + EPS
    mw = (mv1 / mden, mv2 / mden)
    mi = (mi1, mi2)

    uw1, ui1, uw2, ui2 = [], [], [], []
    for g in range(G):
        ulg = jnp.dot(zn, wu_ref[g], preferred_element_type=jnp.float32)
        v1, i1, v2, i2 = _top2(ulg)
        den = v1 + v2 + EPS
        uw1.append(v1 / den)
        uw2.append(v2 / den)
        ui1.append(i1)
        ui2.append(i2)

    e_cols, w_cols = [], []
    for kg in range(GK):
        sel_i1 = _select_by_group(mi[kg], ui1)
        sel_i2 = _select_by_group(mi[kg], ui2)
        sel_w1 = _select_by_group(mi[kg], uw1)
        sel_w2 = _select_by_group(mi[kg], uw2)
        e_cols.append(mi[kg] * EPG + sel_i1)
        e_cols.append(mi[kg] * EPG + sel_i2)
        w_cols.append(mw[kg] * sel_w1)
        w_cols.append(mw[kg] * sel_w2)
    wgt_ref[...] = jnp.concatenate(w_cols, axis=1)

    e_lane = lax.broadcasted_iota(jnp.int32, (T, E), 1)
    run = jnp.zeros((1, E), jnp.float32)
    ohs, ranks = [], []
    for j in range(NSLOT):
        oh = (e_cols[j] == e_lane).astype(jnp.float32)
        c = _cumsum_rows(oh)
        ohs.append(oh)
        ranks.append(c - oh + run)
        run = run + c[T - 1:T, :]
    counts = run
    pc = jnp.ceil(counts * (1.0 / BT)) * BT
    tri = (lax.broadcasted_iota(jnp.int32, (E, E), 0)
           < lax.broadcasted_iota(jnp.int32, (E, E), 1)).astype(jnp.float32)
    off = jnp.dot(pc, tri, preferred_element_type=jnp.float32)

    dest_cols = []
    for j in range(NSLOT):
        d = jnp.sum((ranks[j] + off) * ohs[j], axis=-1, keepdims=True)
        dest_cols.append(d.astype(jnp.int32))
    dest_ref[...] = jnp.concatenate(dest_cols, axis=1)

    bid = lax.broadcasted_iota(jnp.int32, (NBLK, 1), 0).astype(jnp.float32) * BT
    be_ref[...] = (jnp.sum((off <= bid).astype(jnp.float32), axis=-1,
                           keepdims=True) - 1.0).astype(jnp.int32)
    total = jnp.sum(pc)
    act_ref[...] = (bid < total).astype(jnp.int32)


_routing = pl.pallas_call(
    _routing_body,
    out_shape=(
        jax.ShapeDtypeStruct((T, D), jnp.float32),
        jax.ShapeDtypeStruct((T, NSLOT), jnp.int32),
        jax.ShapeDtypeStruct((T, NSLOT), jnp.float32),
        jax.ShapeDtypeStruct((NBLK, 1), jnp.int32),
        jax.ShapeDtypeStruct((NBLK, 1), jnp.int32),
    ),
)


def _ffn_body(be_ref, act_ref, xd_ref, w1_ref, w2_ref, yd_ref):
    xb = xd_ref[...]
    h = jnp.dot(xb, w1_ref[0], preferred_element_type=jnp.float32,
                precision=lax.Precision.DEFAULT)
    h = 0.5 * h * (1.0 + lax.erf(h * 0.7071067811865476))
    yd_ref[...] = jnp.dot(h, w2_ref[0], preferred_element_type=jnp.float32,
                          precision=lax.Precision.DEFAULT)


_ffn = pl.pallas_call(
    _ffn_body,
    grid_spec=pltpu.PrefetchScalarGridSpec(
        num_scalar_prefetch=2,
        grid=(NBLK,),
        in_specs=[
            pl.BlockSpec((BT, D), lambda b, be, act: (b, 0)),
            pl.BlockSpec((1, D, F), lambda b, be, act: (be[b, 0], 0, 0)),
            pl.BlockSpec((1, F, D), lambda b, be, act: (be[b, 0], 0, 0)),
        ],
        out_specs=pl.BlockSpec((BT, D), lambda b, be, act: (b, 0)),
    ),
    out_shape=jax.ShapeDtypeStruct((PMAX, D), jnp.float32),
)


def _combine_body(x_ref, yg_ref, w_ref, o_ref):
    acc = x_ref[...]
    for j in range(NSLOT):
        acc = acc + w_ref[:, j:j + 1] * yg_ref[j]
    o_ref[...] = acc


_combine = pl.pallas_call(
    _combine_body,
    grid=(T // 256,),
    in_specs=[
        pl.BlockSpec((256, D), lambda i: (i, 0)),
        pl.BlockSpec((NSLOT, 256, D), lambda i: (0, i, 0)),
        pl.BlockSpec((256, NSLOT), lambda i: (i, 0)),
    ],
    out_specs=pl.BlockSpec((256, D), lambda i: (i, 0)),
    out_shape=jax.ShapeDtypeStruct((T, D), jnp.float32),
)

def _dispatch_body(zn_hbm, dest_hbm, xd_hbm, idx_v, rows_v, sem):
    wid = lax.axis_index("s") * 2 + lax.axis_index("c")
    base = wid * _PPW
    t_base = lax.rem(base, T)

    @pl.loop(0, _PPW // _CH)
    def _(c):
        off = base + c * _CH
        pltpu.sync_copy(dest_hbm.at[pl.ds(off, _CH)], idx_v)
        pltpu.sync_copy(zn_hbm.at[pl.ds(t_base + c * _CH, _CH)], rows_v)
        pltpu.async_copy(rows_v, xd_hbm.at[idx_v], sem).wait()


def _gather_body(yd_hbm, dest_hbm, yg_hbm, idx_v, rows_v, sem):
    wid = lax.axis_index("s") * 2 + lax.axis_index("c")
    base = wid * _PPW

    @pl.loop(0, _PPW // _CH)
    def _(c):
        off = base + c * _CH
        pltpu.sync_copy(dest_hbm.at[pl.ds(off, _CH)], idx_v)
        pltpu.async_copy(yd_hbm.at[idx_v], rows_v, sem).wait()
        pltpu.sync_copy(rows_v, yg_hbm.at[pl.ds(off, _CH)])


@functools.cache
def _sc_kernels():
    mesh = plsc.VectorSubcoreMesh(core_axis_name="c", subcore_axis_name="s")
    scratch = [
        pltpu.VMEM((_CH,), jnp.int32),
        pltpu.VMEM((_CH, D), jnp.float32),
        pltpu.SemaphoreType.DMA,
    ]
    dispatch = pl.kernel(
        _dispatch_body, mesh=mesh,
        out_type=jax.ShapeDtypeStruct((PMAX, D), jnp.float32),
        scratch_types=list(scratch))
    gather = pl.kernel(
        _gather_body, mesh=mesh,
        out_type=jax.ShapeDtypeStruct((P, D), jnp.float32),
        scratch_types=list(scratch))
    return dispatch, gather


def kernel(x, rms_g, w_macro, w_micro, W1, W2):
    xf = x.reshape(T, D)
    zn, dest_tm, wgt, be, act = _routing(
        xf, rms_g.reshape(1, D), w_macro, w_micro)
    dest = dest_tm.T.reshape(P)
    dispatch, gather = _sc_kernels()
    xd = dispatch(zn, dest)
    yd = _ffn(be, act, xd, W1, W2)
    yg = gather(yd, dest)
    out = _combine(xf, yg.reshape(NSLOT, T, D), wgt)
    return yd[:T].reshape(x.shape)

# --- scband reference (transcript-rebuilt; emitter-appended) ---
"""Pipeline reference for scband-recursive-cognitive-block-70128226009493 (READ-ONLY COPY).

The authoritative reference and input builder live on the scoring server;
editing this copy changes nothing except your own understanding.
"""

import jax, jax.numpy as jnp
import numpy as np

B, S, D = 1, 2048, 768
G, EPG, E, F = 8, 8, 64, 512
GK, K = 2, 2
LOOPS = 1
EPS = 1e-9
RMS_EPS = 1e-6


def setup_inputs(seed: int = 0) -> dict:
    key = jax.random.key(seed)
    ks = jax.random.split(key, 6)
    x = jax.random.normal(ks[0], (B, S, D), dtype=jnp.float32)
    rms_g = jnp.ones((D,), dtype=jnp.float32)
    w_macro = jax.random.normal(ks[1], (D, G), dtype=jnp.float32) * 0.02
    w_micro = jax.random.normal(ks[2], (G, D, EPG), dtype=jnp.float32) * 0.02
    W1 = jax.random.normal(ks[3], (E, D, F), dtype=jnp.float32) * 0.02
    W2 = jax.random.normal(ks[4], (E, F, D), dtype=jnp.float32) * 0.02
    return {"x": x, "rms_g": rms_g, "w_macro": w_macro, "w_micro": w_micro, "W1": W1, "W2": W2}


def _forward(x, rms_g, w_macro, w_micro, W1, W2):
    b, s, d = x.shape
    T = b * s
    z = x
    for _ in range(LOOPS):
        # RMSNorm
        zn = z * jax.lax.rsqrt(jnp.mean(z * z, axis=-1, keepdims=True) + RMS_EPS) * rms_g
        # macro (group) router: softmax gate
        macro = jax.nn.softmax(jnp.einsum('bsd,dg->bsg', zn, w_macro), axis=-1)
        mv, mi = jax.lax.top_k(macro, GK)                      # [b,s,GK]
        mw = mv / (jnp.sum(mv, axis=-1, keepdims=True) + EPS)
        # micro (expert-within-group) routers, all groups at once
        micro = jax.nn.softmax(jnp.einsum('bsd,gde->bsge', zn, w_micro), axis=-1)  # [b,s,G,EPG]
        uv, ui = jax.lax.top_k(micro, K)                       # [b,s,G,K]
        uw = uv / (jnp.sum(uv, axis=-1, keepdims=True) + EPS)
        # gather micro top-k at the selected groups
        idx4 = jnp.broadcast_to(mi[..., None], (b, s, GK, K))
        sel_local = jnp.take_along_axis(ui, idx4, axis=2)      # [b,s,GK,K]
        sel_w = jnp.take_along_axis(uw, idx4, axis=2)          # [b,s,GK,K]
        expert_id = mi[..., None] * EPG + sel_local            # global expert ids
        weight = mw[..., None] * sel_w                         # combined routing weight
        # build dense token->expert gate (zeros for unselected experts),
        # mathematically identical to the sorted sparse dispatch + index_add
        tok = jnp.repeat(jnp.arange(T), GK * K)
        gate = jnp.zeros((T, E), x.dtype).at[tok, expert_id.reshape(-1)].add(weight.reshape(-1))
        zf = zn.reshape(T, d)
        mixed = jnp.zeros((T, d), x.dtype)
        for e in range(E):
            h = jax.nn.gelu(jnp.dot(zf, W1[e]), approximate=False)
            mixed = mixed + gate[:, e:e + 1] * jnp.dot(h, W2[e])
        z = z + mixed.reshape(b, s, d)
    return z


def reference(x, rms_g, w_macro, w_micro, W1, W2):
    return _forward(x, rms_g, w_macro, w_micro, W1, W2)

if __name__ == "__main__":
    import jax
    _d = setup_inputs()
    print(jax.jit(kernel)(*tuple(_d.values())))

</pallas_src>

<mosaic_0001>
#map = affine_map<(d0, d1) -> (0, 0)>
#map1 = affine_map<(d0, d1) -> (0)>
module attributes {stable_mosaic.version = 14 : i64} {
  func.func @_dispatch_body(%arg0: i32, %arg1: i32, %arg2: memref<2048x768xf32, #tpu.memory_space<hbm>>, %arg3: memref<8192xi32, #tpu.memory_space<hbm>>, %arg4: memref<24576x768xf32, #tpu.memory_space<hbm>>, %arg5: memref<64xi32, #tpu.memory_space<vmem>>, %arg6: memref<64x768xf32, #tpu.memory_space<vmem>>, %arg7: memref<!tpu.dma_semaphore, #tpu.memory_space<semaphore_mem>>) attributes {dimension_semantics = [#tpu.dimension_semantics<core_parallel>, #tpu.dimension_semantics<subcore_parallel>], iteration_bounds = array<i64: 2, 16>, scalar_prefetch = 0 : i64, scratch_operands = 3 : i64, tpu.core_type = #tpu.core_type<sc_vector_subcore>, window_params = [{transform_indices = #map}, {transform_indices = #map1}, {transform_indices = #map}]} {
    %mul3A = arith.constant 2 : i32
    %mul3A_0 = arith.muli %arg1, %mul3A : i32
    %add3A = arith.addi %mul3A_0, %arg0 : i32
    %mul3A_1 = arith.constant 256 : i32
    %mul3A_2 = arith.muli %add3A, %mul3A_1 : i32
    %rem3A = arith.constant 2048 : i32
    %rem3A_3 = arith.remsi %mul3A_2, %rem3A : i32
    %scan3A = arith.constant 0 : i32
    %scan3A_4 = arith.constant 4 : i32
    %scan3A_5 = arith.addi %scan3A, %scan3A_4 : i32
    %scan3A_6 = arith.constant 1 : i32
    scf.for %scan3A_8 = %scan3A to %scan3A_5 step %scan3A_6  : i32 {
      %mul3A_9 = arith.constant 1 : i32
      %mul3A_10 = arith.muli %scan3A_8, %mul3A_9 : i32
      %add3A_11 = arith.constant 0 : i32
      %add3A_12 = arith.addi %add3A_11, %mul3A_10 : i32
      %mul3A_13 = arith.constant 64 : i32
      %mul3A_14 = arith.muli %add3A_12, %mul3A_13 : i32
      %add3A_15 = arith.addi %mul3A_2, %mul3A_14 : i32
      "tpu.region"() ({
        %run_scoped3A = tpu.sem_alloc : memref<!tpu.dma_semaphore, #tpu.memory_space<semaphore_mem>>
        %dma_start3A_23 = tpu.memref_slice %arg3[%add3A_15] : memref<8192xi32, #tpu.memory_space<hbm>> -> memref<64xi32, #tpu.memory_space<hbm>>
        %dma_start3A_24 = tpu.memref_slice %arg3[%add3A_15] : memref<8192xi32, #tpu.memory_space<hbm>> -> memref<64xi32, #tpu.memory_space<hbm>>
        tpu.enqueue_dma source(%dma_start3A_24 : memref<64xi32, #tpu.memory_space<hbm>>) target(%arg5 : memref<64xi32, #tpu.memory_space<vmem>>) target_semaphore(%run_scoped3A : memref<!tpu.dma_semaphore, #tpu.memory_space<semaphore_mem>>)
        %dma_wait3A_25 = tpu.memref_slice %arg3[%add3A_15] : memref<8192xi32, #tpu.memory_space<hbm>> -> memref<64xi32, #tpu.memory_space<hbm>>
        %dma_wait3A_26 = tpu.memref_slice %arg3[%add3A_15] : memref<8192xi32, #tpu.memory_space<hbm>> -> memref<64xi32, #tpu.memory_space<hbm>>
        tpu.wait_dma2 semaphore(%run_scoped3A : memref<!tpu.dma_semaphore, #tpu.memory_space<semaphore_mem>>) src(%dma_wait3A_26 : memref<64xi32, #tpu.memory_space<hbm>>) dst(%arg5 : memref<64xi32, #tpu.memory_space<vmem>>)
        tpu.yield
      }) : () -> ()
      %mul3A_16 = arith.constant 64 : i32
      %mul3A_17 = arith.muli %add3A_12, %mul3A_16 : i32
      %add3A_18 = arith.addi %rem3A_3, %mul3A_17 : i32
      "tpu.region"() ({
        %run_scoped3A = tpu.sem_alloc : memref<!tpu.dma_semaphore, #tpu.memory_space<semaphore_mem>>
        %dma_start3A_23 = arith.constant 0 : i32
        %dma_start3A_24 = tpu.memref_slice %arg2[%add3A_18, %dma_start3A_23] : memref<2048x768xf32, #tpu.memory_space<hbm>> -> memref<64x768xf32, #tpu.memory_space<hbm>>
        %dma_start3A_25 = arith.constant 0 : i32
        %dma_start3A_26 = tpu.memref_slice %arg2[%add3A_18, %dma_start3A_25] : memref<2048x768xf32, #tpu.memory_space<hbm>> -> memref<64x768xf32, #tpu.memory_space<hbm>>
        tpu.enqueue_dma source(%dma_start3A_26 : memref<64x768xf32, #tpu.memory_space<hbm>>) target(%arg6 : memref<64x768xf32, #tpu.memory_space<vmem>>) target_semaphore(%run_scoped3A : memref<!tpu.dma_semaphore, #tpu.memory_space<semaphore_mem>>)
        %dma_wait3A_27 = arith.constant 0 : i32
        %dma_wait3A_28 = tpu.memref_slice %arg2[%add3A_18, %dma_wait3A_27] : memref<2048x768xf32, #tpu.memory_space<hbm>> -> memref<64x768xf32, #tpu.memory_space<hbm>>
        %dma_wait3A_29 = arith.constant 0 : i32
        %dma_wait3A_30 = tpu.memref_slice %arg2[%add3A_18, %dma_wait3A_29] : memref<2048x768xf32, #tpu.memory_space<hbm>> -> memref<64x768xf32, #tpu.memory_space<hbm>>
        tpu.wait_dma2 semaphore(%run_scoped3A : memref<!tpu.dma_semaphore, #tpu.memory_space<semaphore_mem>>) src(%dma_wait3A_30 : memref<64x768xf32, #tpu.memory_space<hbm>>) dst(%arg6 : memref<64x768xf32, #tpu.memory_space<vmem>>)
        tpu.yield
      }) : () -> ()
      %dma_start3A = arith.constant 0 : i32
      %dma_start3A_19 = arith.constant 0 : i32
      %dma_start3A_20 = tpu.memref_slice %arg4[%dma_start3A, %dma_start3A_19] : memref<24576x768xf32, #tpu.memory_space<hbm>> -> memref<24576x768xf32, #tpu.memory_space<hbm>>
      tpu.enqueue_indirect_dma source(%arg6 : memref<64x768xf32, #tpu.memory_space<vmem>>) target(%dma_start3A_20 : memref<24576x768xf32, #tpu.memory_space<hbm>>) offsets(%arg5 : memref<64xi32, #tpu.memory_space<vmem>>) semaphore(%arg7 : memref<!tpu.dma_semaphore, #tpu.memory_space<semaphore_mem>>)
      %dma_wait3A = arith.constant 0 : i32
      %dma_wait3A_21 = arith.constant 0 : i32
      %dma_wait3A_22 = tpu.memref_slice %arg4[%dma_wait3A, %dma_wait3A_21] : memref<24576x768xf32, #tpu.memory_space<hbm>> -> memref<24576x768xf32, #tpu.memory_space<hbm>>
      tpu.wait_indirect_dma semaphore(%arg7 : memref<!tpu.dma_semaphore, #tpu.memory_space<semaphore_mem>>) src(%arg6 : memref<64x768xf32, #tpu.memory_space<vmem>>) dst(%dma_wait3A_22 : memref<24576x768xf32, #tpu.memory_space<hbm>>)
    }
    %scan3A_7 = arith.constant 4 : i32
    return
  }
}

module attributes {stable_mosaic.version = 14 : i64} {
  func.func @_routing_body(%arg0: memref<2048x768xf32, #tpu.memory_space<vmem>>, %arg1: memref<1x768xf32, #tpu.memory_space<vmem>>, %arg2: memref<768x8xf32, #tpu.memory_space<vmem>>, %arg3: memref<8x768x8xf32, #tpu.memory_space<vmem>>, %arg4: memref<2048x768xf32, #tpu.memory_space<vmem>>, %arg5: memref<2048x4xi32, #tpu.memory_space<vmem>>, %arg6: memref<2048x4xf32, #tpu.memory_space<vmem>>, %arg7: memref<96x1xi32, #tpu.memory_space<vmem>>, %arg8: memref<96x1xi32, #tpu.memory_space<vmem>>) attributes {dimension_semantics = [], scalar_prefetch = 0 : i64, scratch_operands = 0 : i64, tpu.core_type = #tpu.core_type<tc>} {
    %get3A = arith.constant 0 : index
    %get3A_0 = arith.constant 0 : index
    %get3A_1 = vector.load %arg0[%get3A, %get3A_0] : memref<2048x768xf32, #tpu.memory_space<vmem>>, vector<2048x768xf32>
    %mul3A = arith.mulf %get3A_1, %get3A_1 : vector<2048x768xf32>
    %reduce_sum3A = arith.constant dense<0.000000e+00> : vector<2048xf32>
    %reduce_sum3A_2 = vector.multi_reduction <add>, %mul3A, %reduce_sum3A [1] : vector<2048x768xf32> to vector<2048xf32>
    %broadcast_in_dim3A = vector.shape_cast %reduce_sum3A_2 : vector<2048xf32> to vector<2048x1xf32>
    %div3A = arith.constant 7.680000e+02 : f32
    %div3A_3 = vector.broadcast %div3A : f32 to vector<2048x1xf32>
    %div3A_4 = arith.divf %broadcast_in_dim3A, %div3A_3 : vector<2048x1xf32>
    %add3A = arith.constant 9.99999997E-7 : f32
    %add3A_5 = vector.broadcast %add3A : f32 to vector<2048x1xf32>
    %add3A_6 = arith.addf %div3A_4, %add3A_5 : vector<2048x1xf32>
    %rsqrt3A = math.rsqrt %add3A_6 : vector<2048x1xf32>
    %mul3A_7 = vector.broadcast %rsqrt3A : vector<2048x1xf32> to vector<2048x768xf32>
    %mul3A_8 = arith.mulf %get3A_1, %mul3A_7 : vector<2048x768xf32>
    %get3A_9 = arith.constant 0 : index
    %get3A_10 = arith.constant 0 : index
    %get3A_11 = vector.load %arg1[%get3A_9, %get3A_10] : memref<1x768xf32, #tpu.memory_space<vmem>>, vector<1x768xf32>
    %mul3A_12 = vector.broadcast %get3A_11 : vector<1x768xf32> to vector<2048x768xf32>
    %mul3A_13 = arith.mulf %mul3A_8, %mul3A_12 : vector<2048x768xf32>
    %swap3A = arith.constant 0 : index
    %swap3A_14 = arith.constant 0 : index
    %swap3A_15 = vector.load %arg4[%swap3A, %swap3A_14] : memref<2048x768xf32, #tpu.memory_space<vmem>>, vector<2048x768xf32>
    tpu.vector_store %arg4[%swap3A, %swap3A_14], %mul3A_13 {strides = array<i32>} : memref<2048x768xf32, #tpu.memory_space<vmem>>, vector<2048x768xf32>,
    %get3A_16 = arith.constant 0 : index
    %get3A_17 = arith.constant 0 : index
    %get3A_18 = vector.load %arg2[%get3A_16, %get3A_17] : memref<768x8xf32, #tpu.memory_space<vmem>>, vector<768x8xf32>
    %dot_general3A = arith.constant dense<0.000000e+00> : vector<2048x8xf32>
    %dot_general3A_19 = tpu.matmul %mul3A_13, %get3A_18, %dot_general3A {dimension_numbers = #tpu.dot_dimension_numbers<[1], [0], [0], [1], [0, 0, 1, 1], [], []>, transpose_lhs_hint = false} : vector<2048x768xf32>, vector<768x8xf32>, vector<2048x8xf32> -> vector<2048x8xf32>
    %reduce_max3A = arith.constant dense<0xFF800000> : vector<2048xf32>
    %reduce_max3A_20 = vector.multi_reduction <maximumf>, %dot_general3A_19, %reduce_max3A [1] : vector<2048x8xf32> to vector<2048xf32>
    %broadcast_in_dim3A_21 = vector.shape_cast %reduce_max3A_20 : vector<2048xf32> to vector<2048x1xf32>
    %sub3A = vector.broadcast %broadcast_in_dim3A_21 : vector<2048x1xf32> to vector<2048x8xf32>
    %sub3A_22 = arith.subf %dot_general3A_19, %sub3A : vector<2048x8xf32>
    %exp3A = math.exp %sub3A_22 : vector<2048x8xf32>
    %reduce_sum3A_23 = arith.constant dense<0.000000e+00> : vector<2048xf32>
    %reduce_sum3A_24 = vector.multi_reduction <add>, %exp3A, %reduce_sum3A_23 [1] : vector<2048x8xf32> to vector<2048xf32>
    %broadcast_in_dim3A_25 = vector.shape_cast %reduce_sum3A_24 : vector<2048xf32> to vector<2048x1xf32>
    %div3A_26 = vector.broadcast %broadcast_in_dim3A_25 : vector<2048x1xf32> to vector<2048x8xf32>
    %div3A_27 = arith.divf %exp3A, %div3A_26 : vector<2048x8xf32>
    %iota3A = tpu.iota {dimensions = array<i32: 1>} : vector<2048x8xi32>
    %reduce_max3A_28 = arith.constant dense<0xFF800000> : vector<2048xf32>
    %reduce_max3A_29 = vector.multi_reduction <maximumf>, %div3A_27, %reduce_max3A_28 [1] : vector<2048x8xf32> to vector<2048xf32>
    %broadcast_in_dim3A_30 = vector.shape_cast %reduce_max3A_29 : vector<2048xf32> to vector<2048x1xf32>
    %eq3A = vector.broadcast %broadcast_in_dim3A_30 : vector<2048x1xf32> to vector<2048x8xf32>
    %eq3A_31 = arith.cmpf oeq, %div3A_27, %eq3A : vector<2048x8xf32>
    %jit3A = arith.constant 8 : i32
    %broadcast_in_dim3A_32 = vector.broadcast %jit3A : i32 to vector<2048x8xi32>
    %select_n3A = arith.select %eq3A_31, %iota3A, %broadcast_in_dim3A_32 : vector<2048x8xi1>, vector<2048x8xi32>
    %reduce_min3A = arith.constant dense<2147483647> : vector<2048xi32>
    %reduce_min3A_33 = vector.multi_reduction <minsi>, %select_n3A, %reduce_min3A [1] : vector<2048x8xi32> to vector<2048xi32>
    %broadcast_in_dim3A_34 = vector.shape_cast %reduce_min3A_33 : vector<2048xi32> to vector<2048x1xi32>
    %eq3A_35 = vector.broadcast %broadcast_in_dim3A_34 : vector<2048x1xi32> to vector<2048x8xi32>
    %eq3A_36 = arith.cmpi eq, %iota3A, %eq3A_35 : vector<2048x8xi32>
    %jit3A_37 = arith.constant -1.000000e+00 : f32
    %broadcast_in_dim3A_38 = vector.broadcast %jit3A_37 : f32 to vector<2048x8xf32>
    %select_n3A_39 = arith.select %eq3A_36, %broadcast_in_dim3A_38, %div3A_27 : vector<2048x8xi1>, vector<2048x8xf32>
    %reduce_max3A_40 = arith.constant dense<0xFF800000> : vector<2048xf32>
    %reduce_max3A_41 = vector.multi_reduction <maximumf>, %select_n3A_39, %reduce_max3A_40 [1] : vector<2048x8xf32> to vector<2048xf32>
    %broadcast_in_dim3A_42 = vector.shape_cast %reduce_max3A_41 : vector<2048xf32> to vector<2048x1xf32>
    %eq3A_43 = vector.broadcast %broadcast_in_dim3A_42 : vector<2048x1xf32> to vector<2048x8xf32>
    %eq3A_44 = arith.cmpf oeq, %select_n3A_39, %eq3A_43 : vector<2048x8xf32>
    %jit3A_45 = arith.constant 8 : i32
    %broadcast_in_dim3A_46 = vector.broadcast %jit3A_45 : i32 to vector<2048x8xi32>
    %select_n3A_47 = arith.select %eq3A_44, %iota3A, %broadcast_in_dim3A_46 : vector<2048x8xi1>, vector<2048x8xi32>
    %reduce_min3A_48 = arith.constant dense<2147483647> : vector<2048xi32>
    %reduce_min3A_49 = vector.multi_reduction <minsi>, %select_n3A_47, %reduce_min3A_48 [1] : vector<2048x8xi32> to vector<2048xi32>
    %broadcast_in_dim3A_50 = vector.shape_cast %reduce_min3A_49 : vector<2048xi32> to vector<2048x1xi32>
    %add3A_51 = arith.addf %broadcast_in_dim3A_30, %broadcast_in_dim3A_42 : vector<2048x1xf32>
    %add3A_52 = arith.constant 9.99999971E-10 : f32
    %add3A_53 = vector.broadcast %add3A_52 : f32 to vector<2048x1xf32>
    %add3A_54 = arith.addf %add3A_51, %add3A_53 : vector<2048x1xf32>
    %div3A_55 = arith.divf %broadcast_in_dim3A_30, %add3A_54 : vector<2048x1xf32>
    %div3A_56 = arith.divf %broadcast_in_dim3A_42, %add3A_54 : vector<2048x1xf32>
    %get3A_57 = arith.constant 0 : index
    %get3A_58 = arith.constant 0 : index
    %get3A_59 = arith.constant 0 : index
    %get3A_60 = vector.load %arg3[%get3A_57, %get3A_58, %get3A_59] : memref<8x768x8xf32, #tpu.memory_space<vmem>>, vector<1x768x8xf32>
    %get3A_61 = vector.shape_cast %get3A_60 : vector<1x768x8xf32> to vector<768x8xf32>
    %dot_general3A_62 = arith.constant dense<0.000000e+00> : vector<2048x8xf32>
    %dot_general3A_63 = tpu.matmul %mul3A_13, %get3A_61, %dot_general3A_62 {dimension_numbers = #tpu.dot_dimension_numbers<[1], [0], [0], [1], [0, 0, 1, 1], [], []>, transpose_lhs_hint = false} : vector<2048x768xf32>, vector<768x8xf32>, vector<2048x8xf32> -> vector<2048x8xf32>
    %reduce_max3A_64 = arith.constant dense<0xFF800000> : vector<2048xf32>
    %reduce_max3A_65 = vector.multi_reduction <maximumf>, %dot_general3A_63, %reduce_max3A_64 [1] : vector<2048x8xf32> to vector<2048xf32>
    %broadcast_in_dim3A_66 = vector.shape_cast %reduce_max3A_65 : vector<2048xf32> to vector<2048x1xf32>
    %sub3A_67 = vector.broadcast %broadcast_in_dim3A_66 : vector<2048x1xf32> to vector<2048x8xf32>
    %sub3A_68 = arith.subf %dot_general3A_63, %sub3A_67 : vector<2048x8xf32>
    %exp3A_69 = math.exp %sub3A_68 : vector<2048x8xf32>
    %reduce_sum3A_70 = arith.constant dense<0.000000e+00> : vector<2048xf32>
    %reduce_sum3A_71 = vector.multi_reduction <add>, %exp3A_69, %reduce_sum3A_70 [1] : vector<2048x8xf32> to vector<2048xf32>
    %broadcast_in_dim3A_72 = vector.shape_cast %reduce_sum3A_71 : vector<2048xf32> to vector<2048x1xf32>
    %div3A_73 = vector.broadcast %broadcast_in_dim3A_72 : vector<2048x1xf32> to vector<2048x8xf32>
    %div3A_74 = arith.divf %exp3A_69, %div3A_73 : vector<2048x8xf32>
    %iota3A_75 = tpu.iota {dimensions = array<i32: 1>} : vector<2048x8xi32>
    %reduce_max3A_76 = arith.constant dense<0xFF800000> : vector<2048xf32>
    %reduce_max3A_77 = vector.multi_reduction <maximumf>, %div3A_74, %reduce_max3A_76 [1] : vector<2048x8xf32> to vector<2048xf32>
    %broadcast_in_dim3A_78 = vector.shape_cast %reduce_max3A_77 : vector<2048xf32> to vector<2048x1xf32>
    %eq3A_79 = vector.broadcast %broadcast_in_dim3A_78 : vector<2048x1xf32> to vector<2048x8xf32>
    %eq3A_80 = arith.cmpf oeq, %div3A_74, %eq3A_79 : vector<2048x8xf32>
    %jit3A_81 = arith.constant 8 : i32
    %broadcast_in_dim3A_82 = vector.broadcast %jit3A_81 : i32 to vector<2048x8xi32>
    %select_n3A_83 = arith.select %eq3A_80, %iota3A_75, %broadcast_in_dim3A_82 : vector<2048x8xi1>, vector<2048x8xi32>
    %reduce_min3A_84 = arith.constant dense<2147483647> : vector<2048xi32>
    %reduce_min3A_85 = vector.multi_reduction <minsi>, %select_n3A_83, %reduce_min3A_84 [1] : vector<2048x8xi32> to vector<2048xi32>
    %broadcast_in_dim3A_86 = vector.shape_cast %reduce_min3A_85 : vector<2048xi32> to vector<2048x1xi32>
    %eq3A_87 = vector.broadcast %broadcast_in_dim3A_86 : vector<2048x1xi32> to vector<2048x8xi32>
    %eq3A_88 = arith.cmpi eq, %iota3A_75, %eq3A_87 : vector<2048x8xi32>
    %jit3A_89 = arith.constant -1.000000e+00 : f32
    %broadcast_in_dim3A_90 = vector.broadcast %jit3A_89 : f32 to vector<2048x8xf32>
    %select_n3A_91 = arith.select %eq3A_88, %broadcast_in_dim3A_90, %div3A_74 : vector<2048x8xi1>, vector<2048x8xf32>
    %reduce_max3A_92 = arith.constant dense<0xFF800000> : vector<2048xf32>
    %reduce_max3A_93 = vector.multi_reduction <maximumf>, %select_n3A_91, %reduce_max3A_92 [1] : vector<2048x8xf32> to vector<2048xf32>
    %broadcast_in_dim3A_94 = vector.shape_cast %reduce_max3A_93 : vector<2048xf32> to vector<2048x1xf32>
    %eq3A_95 = vector.broadcast %broadcast_in_dim3A_94 : vector<2048x1xf32> to vector<2048x8xf32>
    %eq3A_96 = arith.cmpf oeq, %select_n3A_91, %eq3A_95 : vector<2048x8xf32>
    %jit3A_97 = arith.constant 8 : i32
    %broadcast_in_dim3A_98 = vector.broadcast %jit3A_97 : i32 to vector<2048x8xi32>
    %select_n3A_99 = arith.select %eq3A_96, %iota3A_75, %broadcast_in_dim3A_98 : vector<2048x8xi1>, vector<2048x8xi32>
    %reduce_min3A_100 = arith.constant dense<2147483647> : vector<2048xi32>
    %reduce_min3A_101 = vector.multi_reduction <minsi>, %select_n3A_99, %reduce_min3A_100 [1] : vector<2048x8xi32> to vector<2048xi32>
    %broadcast_in_dim3A_102 = vector.shape_cast %reduce_min3A_101 : vector<2048xi32> to vector<2048x1xi32>
    %add3A_103 = arith.addf %broadcast_in_dim3A_78, %broadcast_in_dim3A_94 : vector<2048x1xf32>
    %add3A_104 = arith.constant 9.99999971E-10 : f32
    %add3A_105 = vector.broadcast %add3A_104 : f32 to vector<2048x1xf32>
    %add3A_106 = arith.addf %add3A_103, %add3A_105 : vector<2048x1xf32>
    %div3A_107 = arith.divf %broadcast_in_dim3A_78, %add3A_106 : vector<2048x1xf32>
    %div3A_108 = arith.divf %broadcast_in_dim3A_94, %add3A_106 : vector<2048x1xf32>
    %get3A_109 = arith.constant 1 : index
    %get3A_110 = arith.constant 0 : index
    %get3A_111 = arith.constant 0 : index
    %get3A_112 = vector.load %arg3[%get3A_109, %get3A_110, %get3A_111] : memref<8x768x8xf32, #tpu.memory_space<vmem>>, vector<1x768x8xf32>
    %get3A_113 = vector.shape_cast %get3A_112 : vector<1x768x8xf32> to vector<768x8xf32>
    %dot_general3A_114 = arith.constant dense<0.000000e+00> : vector<2048x8xf32>
    %dot_general3A_115 = tpu.matmul %mul3A_13, %get3A_113, %dot_general3A_114 {dimension_numbers = #tpu.dot_dimension_numbers<[1], [0], [0], [1], [0, 0, 1, 1], [], []>, transpose_lhs_hint = false} : vector<2048x768xf32>, vector<768x8xf32>, vector<2048x8xf32> -> vector<2048x8xf32>
    %reduce_max3A_116 = arith.constant dense<0xFF800000> : vector<2048xf32>
    %reduce_max3A_117 = vector.multi_reduction <maximumf>, %dot_general3A_115, %reduce_max3A_116 [1] : vector<2048x8xf32> to vector<2048xf32>
    %broadcast_in_dim3A_118 = vector.shape_cast %reduce_max3A_117 : vector<2048xf32> to vector<2048x1xf32>
    %sub3A_119 = vector.broadcast %broadcast_in_dim3A_118 : vector<2048x1xf32> to vector<2048x8xf32>
    %sub3A_120 = arith.subf %dot_general3A_115, %sub3A_119 : vector<2048x8xf32>
    %exp3A_121 = math.exp %sub3A_120 : vector<2048x8xf32>
    %reduce_sum3A_122 = arith.constant dense<0.000000e+00> : vector<2048xf32>
    %reduce_sum3A_123 = vector.multi_reduction <add>, %exp3A_121, %reduce_sum3A_122 [1] : vector<2048x8xf32> to vector<2048xf32>
    %broadcast_in_dim3A_124 = vector.shape_cast %reduce_sum3A_123 : vector<2048xf32> to vector<2048x1xf32>
    %div3A_125 = vector.broadcast %broadcast_in_dim3A_124 : vector<2048x1xf32> to vector<2048x8xf32>
    %div3A_126 = arith.divf %exp3A_121, %div3A_125 : vector<2048x8xf32>
    %iota3A_127 = tpu.iota {dimensions = array<i32: 1>} : vector<2048x8xi32>
    %reduce_max3A_128 = arith.constant dense<0xFF800000> : vector<2048xf32>
    %reduce_max3A_129 = vector.multi_reduction <maximumf>, %div3A_126, %reduce_max3A_128 [1] : vector<2048x8xf32> to vector<2048xf32>
    %broadcast_in_dim3A_130 = vector.shape_cast %reduce_max3A_129 : vector<2048xf32> to vector<2048x1xf32>
    %eq3A_131 = vector.broadcast %broadcast_in_dim3A_130 : vector<2048x1xf32> to vector<2048x8xf32>
    %eq3A_132 = arith.cmpf oeq, %div3A_126, %eq3A_131 : vector<2048x8xf32>
    %jit3A_133 = arith.constant 8 : i32
    %broadcast_in_dim3A_134 = vector.broadcast %jit3A_133 : i32 to vector<2048x8xi32>
    %select_n3A_135 = arith.select %eq3A_132, %iota3A_127, %broadcast_in_dim3A_134 : vector<2048x8xi1>, vector<2048x8xi32>
    %reduce_min3A_136 = arith.constant dense<2147483647> : vector<2048xi32>
    %reduce_min3A_137 = vector.multi_reduction <minsi>, %select_n3A_135, %reduce_min3A_136 [1] : vector<2048x8xi32> to vector<2048xi32>
    %broadcast_in_dim3A_138 = vector.shape_cast %reduce_min3A_137 : vector<2048xi32> to vector<2048x1xi32>
    %eq3A_139 = vector.broadcast %broadcast_in_dim3A_138 : vector<2048x1xi32> to vector<2048x8xi32>
    %eq3A_140 = arith.cmpi eq, %iota3A_127, %eq3A_139 : vector<2048x8xi32>
    %jit3A_141 = arith.constant -1.000000e+00 : f32
    %broadcast_in_dim3A_142 = vector.broadcast %jit3A_141 : f32 to vector<2048x8xf32>
    %select_n3A_143 = arith.select %eq3A_140, %broadcast_in_dim3A_142, %div3A_126 : vector<2048x8xi1>, vector<2048x8xf32>
    %reduce_max3A_144 = arith.constant dense<0xFF800000> : vector<2048xf32>
    %reduce_max3A_145 = vector.multi_reduction <maximumf>, %select_n3A_143, %reduce_max3A_144 [1] : vector<2048x8xf32> to vector<2048xf32>
    %broadcast_in_dim3A_146 = vector.shape_cast %reduce_max3A_145 : vector<2048xf32> to vector<2048x1xf32>
    %eq3A_147 = vector.broadcast %broadcast_in_dim3A_146 : vector<2048x1xf32> to vector<2048x8xf32>
    %eq3A_148 = arith.cmpf oeq, %select_n3A_143, %eq3A_147 : vector<2048x8xf32>
    %jit3A_149 = arith.constant 8 : i32
    %broadcast_in_dim3A_150 = vector.broadcast %jit3A_149 : i32 to vector<2048x8xi32>
    %select_n3A_151 = arith.select %eq3A_148, %iota3A_127, %broadcast_in_dim3A_150 : vector<2048x8xi1>, vector<2048x8xi32>
    %reduce_min3A_152 = arith.constant dense<2147483647> : vector<2048xi32>
    %reduce_min3A_153 = vector.multi_reduction <minsi>, %select_n3A_151, %reduce_min3A_152 [1] : vector<2048x8xi32> to vector<2048xi32>
    %broadcast_in_dim3A_154 = vector.shape_cast %reduce_min3A_153 : vector<2048xi32> to vector<2048x1xi32>
    %add3A_155 = arith.addf %broadcast_in_dim3A_130, %broadcast_in_dim3A_146 : vector<2048x1xf32>
    %add3A_156 = arith.constant 9.99999971E-10 : f32
    %add3A_157 = vector.broadcast %add3A_156 : f32 to vector<2048x1xf32>
    %add3A_158 = arith.addf %add3A_155, %add3A_157 : vector<2048x1xf32>
    %div3A_159 = arith.divf %broadcast_in_dim3A_130, %add3A_158 : vector<2048x1xf32>
    %div3A_160 = arith.divf %broadcast_in_dim3A_146, %add3A_158 : vector<2048x1xf32>
    %get3A_161 = arith.constant 2 : index
    %get3A_162 = arith.constant 0 : index
    %get3A_163 = arith.constant 0 : index
    %get3A_164 = vector.load %arg3[%get3A_161, %get3A_162, %get3A_163] : memref<8x768x8xf32, #tpu.memory_space<vmem>>, vector<1x768x8xf32>
    %get3A_165 = vector.shape_cast %get3A_164 : vector<1x768x8xf32> to vector<768x8xf32>
    %dot_general3A_166 = arith.constant dense<0.000000e+00> : vector<2048x8xf32>
    %dot_general3A_167 = tpu.matmul %mul3A_13, %get3A_165, %dot_general3A_166 {dimension_numbers = #tpu.dot_dimension_numbers<[1], [0], [0], [1], [0, 0, 1, 1], [], []>, transpose_lhs_hint = false} : vector<2048x768xf32>, vector<768x8xf32>, vector<2048x8xf32> -> vector<2048x8xf32>
    %reduce_max3A_168 = arith.constant dense<0xFF800000> : vector<2048xf32>
    %reduce_max3A_169 = vector.multi_reduction <maximumf>, %dot_general3A_167, %reduce_max3A_168 [1] : vector<2048x8xf32> to vector<2048xf32>
    %broadcast_in_dim3A_170 = vector.shape_cast %reduce_max3A_169 : vector<2048xf32> to vector<2048x1xf32>
    %sub3A_171 = vector.broadcast %broadcast_in_dim3A_170 : vector<2048x1xf32> to vector<2048x8xf32>
    %sub3A_172 = arith.subf %dot_general3A_167, %sub3A_171 : vector<2048x8xf32>
    %exp3A_173 = math.exp %sub3A_172 : vector<2048x8xf32>
    %reduce_sum3A_174 = arith.constant dense<0.000000e+00> : vector<2048xf32>
    %reduce_sum3A_175 = vector.multi_reduction <add>, %exp3A_173, %reduce_sum3A_174 [1] : vector<2048x8xf32> to vector<2048xf32>
    %broadcast_in_dim3A_176 = vector.shape_cast %reduce_sum3A_175 : vector<2048xf32> to vector<2048x1xf32>
    %div3A_177 = vector.broadcast %broadcast_in_dim3A_176 : vector<2048x1xf32> to vector<2048x8xf32>
    %div3A_178 = arith.divf %exp3A_173, %div3A_177 : vector<2048x8xf32>
    %iota3A_179 = tpu.iota {dimensions = array<i32: 1>} : vector<2048x8xi32>
    %reduce_max3A_180 = arith.constant dense<0xFF800000> : vector<2048xf32>
    %reduce_max3A_181 = vector.multi_reduction <maximumf>, %div3A_178, %reduce_max3A_180 [1] : vector<2048x8xf32> to vector<2048xf32>
    %broadcast_in_dim3A_182 = vector.shape_cast %reduce_max3A_181 : vector<2048xf32> to vector<2048x1xf32>
    %eq3A_183 = vector.broadcast %broadcast_in_dim3A_182 : vector<2048x1xf32> to vector<2048x8xf32>
    %eq3A_184 = arith.cmpf oeq, %div3A_178, %eq3A_183 : vector<2048x8xf32>
    %jit3A_185 = arith.constant 8 : i32
    %broadcast_in_dim3A_186 = vector.broadcast %jit3A_185 : i32 to vector<2048x8xi32>
    %select_n3A_187 = arith.select %eq3A_184, %iota3A_179, %broadcast_in_dim3A_186 : vector<2048x8xi1>, vector<2048x8xi32>
    %reduce_min3A_188 = arith.constant dense<2147483647> : vector<2048xi32>
    %reduce_min3A_189 = vector.multi_reduction <minsi>, %select_n3A_187, %reduce_min3A_188 [1] : vector<2048x8xi32> to vector<2048xi32>
    %broadcast_in_dim3A_190 = vector.shape_cast %reduce_min3A_189 : vector<2048xi32> to vector<2048x1xi32>
    %eq3A_191 = vector.broadcast %broadcast_in_dim3A_190 : vector<2048x1xi32> to vector<2048x8xi32>
    %eq3A_192 = arith.cmpi eq, %iota3A_179, %eq3A_191 : vector<2048x8xi32>
    %jit3A_193 = arith.constant -1.000000e+00 : f32
    %broadcast_in_dim3A_194 = vector.broadcast %jit3A_193 : f32 to vector<2048x8xf32>
    %select_n3A_195 = arith.select %eq3A_192, %broadcast_in_dim3A_194, %div3A_178 : vector<2048x8xi1>, vector<2048x8xf32>
    %reduce_max3A_196 = arith.constant dense<0xFF800000> : vector<2048xf32>
    %reduce_max3A_197 = vector.multi_reduction <maximumf>, %select_n3A_195, %reduce_max3A_196 [1] : vector<2048x8xf32> to vector<2048xf32>
    %broadcast_in_dim3A_198 = vector.shape_cast %reduce_max3A_197 : vector<2048xf32> to vector<2048x1xf32>
    %eq3A_199 = vector.broadcast %broadcast_in_dim3A_198 : vector<2048x1xf32> to vector<2048x8xf32>
    %eq3A_200 = arith.cmpf oeq, %select_n3A_195, %eq3A_199 : vector<2048x8xf32>
    %jit3A_201 = arith.constant 8 : i32
    %broadcast_in_dim3A_202 = vector.broadcast %jit3A_201 : i32 to vector<2048x8xi32>
    %select_n3A_203 = arith.select %eq3A_200, %iota3A_179, %broadcast_in_dim3A_202 : vector<2048x8xi1>, vector<2048x8xi32>
    %reduce_min3A_204 = arith.constant dense<2147483647> : vector<2048xi32>
    %reduce_min3A_205 = vector.multi_reduction <minsi>, %select_n3A_203, %reduce_min3A_204 [1] : vector<2048x8xi32> to vector<2048xi32>
    %broadcast_in_dim3A_206 = vector.shape_cast %reduce_min3A_205 : vector<2048xi32> to vector<2048x1xi32>
    %add3A_207 = arith.addf %broadcast_in_dim3A_182, %broadcast_in_dim3A_198 : vector<2048x1xf32>
    %add3A_208 = arith.constant 9.99999971E-10 : f32
    %add3A_209 = vector.broadcast %add3A_208 : f32 to vector<2048x1xf32>
    %add3A_210 = arith.addf %add3A_207, %add3A_209 : vector<2048x1xf32>
    %div3A_211 = arith.divf %broadcast_in_dim3A_182, %add3A_210 : vector<2048x1xf32>
    %div3A_212 = arith.divf %broadcast_in_dim3A_198, %add3A_210 : vector<2048x1xf32>
    %get3A_213 = arith.constant 3 : index
    %get3A_214 = arith.constant 0 : index
    %get3A_215 = arith.constant 0 : index
    %get3A_216 = vector.load %arg3[%get3A_213, %get3A_214, %get3A_215] : memref<8x768x8xf32, #tpu.memory_space<vmem>>, vector<1x768x8xf32>
    %get3A_217 = vector.shape_cast %get3A_216 : vector<1x768x8xf32> to vector<768x8xf32>
    %dot_general3A_218 = arith.constant dense<0.000000e+00> : vector<2048x8xf32>
    %dot_general3A_219 = tpu.matmul %mul3A_13, %get3A_217, %dot_general3A_218 {dimension_numbers = #tpu.dot_dimension_numbers<[1], [0], [0], [1], [0, 0, 1, 1], [], []>, transpose_lhs_hint = false} : vector<2048x768xf32>, vector<768x8xf32>, vector<2048x8xf32> -> vector<2048x8xf32>
    %reduce_max3A_220 = arith.constant dense<0xFF800000> : vector<2048xf32>
    %reduce_max3A_221 = vector.multi_reduction <maximumf>, %dot_general3A_219, %reduce_max3A_220 [1] : vector<2048x8xf32> to vector<2048xf32>
    %broadcast_in_dim3A_222 = vector.shape_cast %reduce_max3A_221 : vector<2048xf32> to vector<2048x1xf32>
    %sub3A_223 = vector.broadcast %broadcast_in_dim3A_222 : vector<2048x1xf32> to vector<2048x8xf32>
    %sub3A_224 = arith.subf %dot_general3A_219, %sub3A_223 : vector<2048x8xf32>
    %exp3A_225 = math.exp %sub3A_224 : vector<2048x8xf32>
    %reduce_sum3A_226 = arith.constant dense<0.000000e+00> : vector<2048xf32>
    %reduce_sum3A_227 = vector.multi_reduction <add>, %exp3A_225, %reduce_sum3A_226 [1] : vector<2048x8xf32> to vector<2048xf32>
    %broadcast_in_dim3A_228 = vector.shape_cast %reduce_sum3A_227 : vector<2048xf32> to vector<2048x1xf32>
    %div3A_229 = vector.broadcast %broadcast_in_dim3A_228 : vector<2048x1xf32> to vector<2048x8xf32>
    %div3A_230 = arith.divf %exp3A_225, %div3A_229 : vector<2048x8xf32>
    %iota3A_231 = tpu.iota {dimensions = array<i32: 1>} : vector<2048x8xi32>
    %reduce_max3A_232 = arith.constant dense<0xFF800000> : vector<2048xf32>
    %reduce_max3A_233 = vector.multi_reduction <maximumf>, %div3A_230, %reduce_max3A_232 [1] : vector<2048x8xf32> to vector<2048xf32>
    %broadcast_in_dim3A_234 = vector.shape_cast %reduce_max3A_233 : vector<2048xf32> to vector<2048x1xf32>
    %eq3A_235 = vector.broadcast %broadcast_in_dim3A_234 : vector<2048x1xf32> to vector<2048x8xf32>
    %eq3A_236 = arith.cmpf oeq, %div3A_230, %eq3A_235 : vector<2048x8xf32>
    %jit3A_237 = arith.constant 8 : i32
    %broadcast_in_dim3A_238 = vector.broadcast %jit3A_237 : i32 to vector<2048x8xi32>
    %select_n3A_239 = arith.select %eq3A_236, %iota3A_231, %broadcast_in_dim3A_238 : vector<2048x8xi1>, vector<2048x8xi32>
    %reduce_min3A_240 = arith.constant dense<2147483647> : vector<2048xi32>
    %reduce_min3A_241 = vector.multi_reduction <minsi>, %select_n3A_239, %reduce_min3A_240 [1] : vector<2048x8xi32> to vector<2048xi32>
    %broadcast_in_dim3A_242 = vector.shape_cast %reduce_min3A_241 : vector<2048xi32> to vector<2048x1xi32>
    %eq3A_243 = vector.broadcast %broadcast_in_dim3A_242 : vector<2048x1xi32> to vector<2048x8xi32>
    %eq3A_244 = arith.cmpi eq, %iota3A_231, %eq3A_243 : vector<2048x8xi32>
    %jit3A_245 = arith.constant -1.000000e+00 : f32
    %broadcast_in_dim3A_246 = vector.broadcast %jit3A_245 : f32 to vector<2048x8xf32>
    %select_n3A_247 = arith.select %eq3A_244, %broadcast_in_dim3A_246, %div3A_230 : vector<2048x8xi1>, vector<2048x8xf32>
    %reduce_max3A_248 = arith.constant dense<0xFF800000> : vector<2048xf32>
    %reduce_max3A_249 = vector.multi_reduction <maximumf>, %select_n3A_247, %reduce_max3A_248 [1] : vector<2048x8xf32> to vector<2048xf32>
    %broadcast_in_dim3A_250 = vector.shape_cast %reduce_max3A_249 : vector<2048xf32> to vector<2048x1xf32>
    %eq3A_251 = vector.broadcast %broadcast_in_dim3A_250 : vector<2048x1xf32> to vector<2048x8xf32>
    %eq3A_252 = arith.cmpf oeq, %select_n3A_247, %eq3A_251 : vector<2048x8xf32>
    %jit3A_253 = arith.constant 8 : i32
    %broadcast_in_dim3A_254 = vector.broadcast %jit3A_253 : i32 to vector<2048x8xi32>
    %select_n3A_255 = arith.select %eq3A_252, %iota3A_231, %broadcast_in_dim3A_254 : vector<2048x8xi1>, vector<2048x8xi32>
    %reduce_min3A_256 = arith.constant dense<2147483647> : vector<2048xi32>
    %reduce_min3A_257 = vector.multi_reduction <minsi>, %select_n3A_255, %reduce_min3A_256 [1] : vector<2048x8xi32> to vector<2048xi32>
    %broadcast_in_dim3A_258 = vector.shape_cast %reduce_min3A_257 : vector<2048xi32> to vector<2048x1xi32>
    %add3A_259 = arith.addf %broadcast_in_dim3A_234, %broadcast_in_dim3A_250 : vector<2048x1xf32>
    %add3A_260 = arith.constant 9.99999971E-10 : f32
    %add3A_261 = vector.broadcast %add3A_260 : f32 to vector<2048x1xf32>
    %add3A_262 = arith.addf %add3A_259, %add3A_261 : vector<2048x1xf32>
    %div3A_263 = arith.divf %broadcast_in_dim3A_234, %add3A_262 : vector<2048x1xf32>
    %div3A_264 = arith.divf %broadcast_in_dim3A_250, %add3A_262 : vector<2048x1xf32>
    %get3A_265 = arith.constant 4 : index
    %get3A_266 = arith.constant 0 : index
    %get3A_267 = arith.constant 0 : index
    %get3A_268 = vector.load %arg3[%get3A_265, %get3A_266, %get3A_267] : memref<8x768x8xf32, #tpu.memory_space<vmem>>, vector<1x768x8xf32>
    %get3A_269 = vector.shape_cast %get3A_268 : vector<1x768x8xf32> to vector<768x8xf32>
    %dot_general3A_270 = arith.constant dense<0.000000e+00> : vector<2048x8xf32>
    %dot_general3A_271 = tpu.matmul %mul3A_13, %get3A_269, %dot_general3A_270 {dimension_numbers = #tpu.dot_dimension_numbers<[1], [0], [0], [1], [0, 0, 1, 1], [], []>, transpose_lhs_hint = false} : vector<2048x768xf32>, vector<768x8xf32>, vector<2048x8xf32> -> vector<2048x8xf32>
    %reduce_max3A_272 = arith.constant dense<0xFF800000> : vector<2048xf32>
    %reduce_max3A_273 = vector.multi_reduction <maximumf>, %dot_general3A_271, %reduce_max3A_272 [1] : vector<2048x8xf32> to vector<2048xf32>
    %broadcast_in_dim3A_274 = vector.shape_cast %reduce_max3A_273 : vector<2048xf32> to vector<2048x1xf32>
    %sub3A_275 = vector.broadcast %broadcast_in_dim3A_274 : vector<2048x1xf32> to vector<2048x8xf32>
    %sub3A_276 = arith.subf %dot_general3A_271, %sub3A_275 : vector<2048x8xf32>
    %exp3A_277 = math.exp %sub3A_276 : vector<2048x8xf32>
    %reduce_sum3A_278 = arith.constant dense<0.000000e+00> : vector<2048xf32>
    %reduce_sum3A_279 = vector.multi_reduction <add>, %exp3A_277, %reduce_sum3A_278 [1] : vector<2048x8xf32> to vector<2048xf32>
    %broadcast_in_dim3A_280 = vector.shape_cast %reduce_sum3A_279 : vector<2048xf32> to vector<2048x1xf32>
    %div3A_281 = vector.broadcast %broadcast_in_dim3A_280 : vector<2048x1xf32> to vector<2048x8xf32>
    %div3A_282 = arith.divf %exp3A_277, %div3A_281 : vector<2048x8xf32>
    %iota3A_283 = tpu.iota {dimensions = array<i32: 1>} : vector<2048x8xi32>
    %reduce_max3A_284 = arith.constant dense<0xFF800000> : vector<2048xf32>
    %reduce_max3A_285 = vector.multi_reduction <maximumf>, %div3A_282, %reduce_max3A_284 [1] : vector<2048x8xf32> to vector<2048xf32>
    %broadcast_in_dim3A_286 = vector.shape_cast %reduce_max3A_285 : vector<2048xf32> to vector<2048x1xf32>
    %eq3A_287 = vector.broadcast %broadcast_in_dim3A_286 : vector<2048x1xf32> to vector<2048x8xf32>
    %eq3A_288 = arith.cmpf oeq, %div3A_282, %eq3A_287 : vector<2048x8xf32>
    %jit3A_289 = arith.constant 8 : i32
    %broadcast_in_dim3A_290 = vector.broadcast %jit3A_289 : i32 to vector<2048x8xi32>
    %select_n3A_291 = arith.select %eq3A_288, %iota3A_283, %broadcast_in_dim3A_290 : vector<2048x8xi1>, vector<2048x8xi32>
    %reduce_min3A_292 = arith.constant dense<2147483647> : vector<2048xi32>
    %reduce_min3A_293 = vector.multi_reduction <minsi>, %select_n3A_291, %reduce_min3A_292 [1] : vector<2048x8xi32> to vector<2048xi32>
    %broadcast_in_dim3A_294 = vector.shape_cast %reduce_min3A_293 : vector<2048xi32> to vector<2048x1xi32>
    %eq3A_295 = vector.broadcast %broadcast_in_dim3A_294 : vector<2048x1xi32> to vector<2048x8xi32>
    %eq3A_296 = arith.cmpi eq, %iota3A_283, %eq3A_295 : vector<2048x8xi32>
    %jit3A_297 = arith.constant -1.000000e+00 : f32
    %broadcast_in_dim3A_298 = vector.broadcast %jit3A_297 : f32 to vector<2048x8xf32>
    %select_n3A_299 = arith.select %eq3A_296, %broadcast_in_dim3A_298, %div3A_282 : vector<2048x8xi1>, vector<2048x8xf32>
    %reduce_max3A_300 = arith.constant dense<0xFF800000> : vector<2048xf32>
    %reduce_max3A_301 = vector.multi_reduction <maximumf>, %select_n3A_299, %reduce_max3A_300 [1] : vector<2048x8xf32> to vector<2048xf32>
    %broadcast_in_dim3A_302 = vector.shape_cast %reduce_max3A_301 : vector<2048xf32> to vector<2048x1xf32>
    %eq3A_303 = vector.broadcast %broadcast_in_dim3A_302 : vector<2048x1xf32> to vector<2048x8xf32>
    %eq3A_304 = arith.cmpf oeq, %select_n3A_299, %eq3A_303 : vector<2048x8xf32>
    %jit3A_305 = arith.constant 8 : i32
    %broadcast_in_dim3A_306 = vector.broadcast %jit3A_305 : i32 to vector<2048x8xi32>
    %select_n3A_307 = arith.select %eq3A_304, %iota3A_283, %broadcast_in_dim3A_306 : vector<2048x8xi1>, vector<2048x8xi32>
    %reduce_min3A_308 = arith.constant dense<2147483647> : vector<2048xi32>
    %reduce_min3A_309 = vector.multi_reduction <minsi>, %select_n3A_307, %reduce_min3A_308 [1] : vector<2048x8xi32> to vector<2048xi32>
    %broadcast_in_dim3A_310 = vector.shape_cast %reduce_min3A_309 : vector<2048xi32> to vector<2048x1xi32>
    %add3A_311 = arith.addf %broadcast_in_dim3A_286, %broadcast_in_dim3A_302 : vector<2048x1xf32>
    %add3A_312 = arith.constant 9.99999971E-10 : f32
    %add3A_313 = vector.broadcast %add3A_312 : f32 to vector<2048x1xf32>
    %add3A_314 = arith.addf %add3A_311, %add3A_313 : vector<2048x1xf32>
    %div3A_315 = arith.divf %broadcast_in_dim3A_286, %add3A_314 : vector<2048x1xf32>
    %div3A_316 = arith.divf %broadcast_in_dim3A_302, %add3A_314 : vector<2048x1xf32>
    %get3A_317 = arith.constant 5 : index
    %get3A_318 = arith.constant 0 : index
    %get3A_319 = arith.constant 0 : index
    %get3A_320 = vector.load %arg3[%get3A_317, %get3A_318, %get3A_319] : memref<8x768x8xf32, #tpu.memory_space<vmem>>, vector<1x768x8xf32>
    %get3A_321 = vector.shape_cast %get3A_320 : vector<1x768x8xf32> to vector<768x8xf32>
    %dot_general3A_322 = arith.constant dense<0.000000e+00> : vector<2048x8xf32>
    %dot_general3A_323 = tpu.matmul %mul3A_13, %get3A_321, %dot_general3A_322 {dimension_numbers = #tpu.dot_dimension_numbers<[1], [0], [0], [1], [0, 0, 1, 1], [], []>, transpose_lhs_hint = false} : vector<2048x768xf32>, vector<768x8xf32>, vector<2048x8xf32> -> vector<2048x8xf32>
    %reduce_max3A_324 = arith.constant dense<0xFF800000> : vector<2048xf32>
    %reduce_max3A_325 = vector.multi_reduction <maximumf>, %dot_general3A_323, %reduce_max3A_324 [1] : vector<2048x8xf32> to vector<2048xf32>
    %broadcast_in_dim3A_326 = vector.shape_cast %reduce_max3A_325 : vector<2048xf32> to vector<2048x1xf32>
    %sub3A_327 = vector.broadcast %broadcast_in_dim3A_326 : vector<2048x1xf32> to vector<2048x8xf32>
    %sub3A_328 = arith.subf %dot_general3A_323, %sub3A_327 : vector<2048x8xf32>
    %exp3A_329 = math.exp %sub3A_328 : vector<2048x8xf32>
    %reduce_sum3A_330 = arith.constant dense<0.000000e+00> : vector<2048xf32>
    %reduce_sum3A_331 = vector.multi_reduction <add>, %exp3A_329, %reduce_sum3A_330 [1] : vector<2048x8xf32> to vector<2048xf32>
    %broadcast_in_dim3A_332 = vector.shape_cast %reduce_sum3A_331 : vector<2048xf32> to vector<2048x1xf32>
    %div3A_333 = vector.broadcast %broadcast_in_dim3A_332 : vector<2048x1xf32> to vector<2048x8xf32>
    %div3A_334 = arith.divf %exp3A_329, %div3A_333 : vector<2048x8xf32>
    %iota3A_335 = tpu.iota {dimensions = array<i32: 1>} : vector<2048x8xi32>
    %reduce_max3A_336 = arith.constant dense<0xFF800000> : vector<2048xf32>
    %reduce_max3A_337 = vector.multi_reduction <maximumf>, %div3A_334, %reduce_max3A_336 [1] : vector<2048x8xf32> to vector<2048xf32>
    %broadcast_in_dim3A_338 = vector.shape_cast %reduce_max3A_337 : vector<2048xf32> to vector<2048x1xf32>
    %eq3A_339 = vector.broadcast %broadcast_in_dim3A_338 : vector<2048x1xf32> to vector<2048x8xf32>
    %eq3A_340 = arith.cmpf oeq, %div3A_334, %eq3A_339 : vector<2048x8xf32>
    %jit3A_341 = arith.constant 8 : i32
    %broadcast_in_dim3A_342 = vector.broadcast %jit3A_341 : i32 to vector<2048x8xi32>
    %select_n3A_343 = arith.select %eq3A_340, %iota3A_335, %broadcast_in_dim3A_342 : vector<2048x8xi1>, vector<2048x8xi32>
    %reduce_min3A_344 = arith.constant dense<2147483647> : vector<2048xi32>
    %reduce_min3A_345 = vector.multi_reduction <minsi>, %select_n3A_343, %reduce_min3A_344 [1] : vector<2048x8xi32> to vector<2048xi32>
    %broadcast_in_dim3A_346 = vector.shape_cast %reduce_min3A_345 : vector<2048xi32> to vector<2048x1xi32>
    %eq3A_347 = vector.broadcast %broadcast_in_dim3A_346 : vector<2048x1xi32> to vector<2048x8xi32>
    %eq3A_348 = arith.cmpi eq, %iota3A_335, %eq3A_347 : vector<2048x8xi32>
    %jit3A_349 = arith.constant -1.000000e+00 : f32
    %broadcast_in_dim3A_350 = vector.broadcast %jit3A_349 : f32 to vector<2048x8xf32>
    %select_n3A_351 = arith.select %eq3A_348, %broadcast_in_dim3A_350, %div3A_334 : vector<2048x8xi1>, vector<2048x8xf32>
    %reduce_max3A_352 = arith.constant dense<0xFF800000> : vector<2048xf32>
    %reduce_max3A_353 = vector.multi_reduction <maximumf>, %select_n3A_351, %reduce_max3A_352 [1] : vector<2048x8xf32> to vector<2048xf32>
    %broadcast_in_dim3A_354 = vector.shape_cast %reduce_max3A_353 : vector<2048xf32> to vector<2048x1xf32>
    %eq3A_355 = vector.broadcast %broadcast_in_dim3A_354 : vector<2048x1xf32> to vector<2048x8xf32>
    %eq3A_356 = arith.cmpf oeq, %select_n3A_351, %eq3A_355 : vector<2048x8xf32>
    %jit3A_357 = arith.constant 8 : i32
    %broadcast_in_dim3A_358 = vector.broadcast %jit3A_357 : i32 to vector<2048x8xi32>
    %select_n3A_359 = arith.select %eq3A_356, %iota3A_335, %broadcast_in_dim3A_358 : vector<2048x8xi1>, vector<2048x8xi32>
    %reduce_min3A_360 = arith.constant dense<2147483647> : vector<2048xi32>
    %reduce_min3A_361 = vector.multi_reduction <minsi>, %select_n3A_359, %reduce_min3A_360 [1] : vector<2048x8xi32> to vector<2048xi32>
    %broadcast_in_dim3A_362 = vector.shape_cast %reduce_min3A_361 : vector<2048xi32> to vector<2048x1xi32>
    %add3A_363 = arith.addf %broadcast_in_dim3A_338, %broadcast_in_dim3A_354 : vector<2048x1xf32>
    %add3A_364 = arith.constant 9.99999971E-10 : f32
    %add3A_365 = vector.broadcast %add3A_364 : f32 to vector<2048x1xf32>
    %add3A_366 = arith.addf %add3A_363, %add3A_365 : vector<2048x1xf32>
    %div3A_367 = arith.divf %broadcast_in_dim3A_338, %add3A_366 : vector<2048x1xf32>
    %div3A_368 = arith.divf %broadcast_in_dim3A_354, %add3A_366 : vector<2048x1xf32>
    %get3A_369 = arith.constant 6 : index
    %get3A_370 = arith.constant 0 : index
    %get3A_371 = arith.constant 0 : index
    %get3A_372 = vector.load %arg3[%get3A_369, %get3A_370, %get3A_371] : memref<8x768x8xf32, #tpu.memory_space<vmem>>, vector<1x768x8xf32>
    %get3A_373 = vector.shape_cast %get3A_372 : vector<1x768x8xf32> to vector<768x8xf32>
    %dot_general3A_374 = arith.constant dense<0.000000e+00> : vector<2048x8xf32>
    %dot_general3A_375 = tpu.matmul %mul3A_13, %get3A_373, %dot_general3A_374 {dimension_numbers = #tpu.dot_dimension_numbers<[1], [0], [0], [1], [0, 0, 1, 1], [], []>, transpose_lhs_hint = false} : vector<2048x768xf32>, vector<768x8xf32>, vector<2048x8xf32> -> vector<2048x8xf32>
    %reduce_max3A_376 = arith.constant dense<0xFF800000> : vector<2048xf32>
    %reduce_max3A_377 = vector.multi_reduction <maximumf>, %dot_general3A_375, %reduce_max3A_376 [1] : vector<2048x8xf32> to vector<2048xf32>
    %broadcast_in_dim3A_378 = vector.shape_cast %reduce_max3A_377 : vector<2048xf32> to vector<2048x1xf32>
    %sub3A_379 = vector.broadcast %broadcast_in_dim3A_378 : vector<2048x1xf32> to vector<2048x8xf32>
    %sub3A_380 = arith.subf %dot_general3A_375, %sub3A_379 : vector<2048x8xf32>
    %exp3A_381 = math.exp %sub3A_380 : vector<2048x8xf32>
    %reduce_sum3A_382 = arith.constant dense<0.000000e+00> : vector<2048xf32>
    %reduce_sum3A_383 = vector.multi_reduction <add>, %exp3A_381, %reduce_sum3A_382 [1] : vector<2048x8xf32> to vector<2048xf32>
    %broadcast_in_dim3A_384 = vector.shape_cast %reduce_sum3A_383 : vector<2048xf32> to vector<2048x1xf32>
    %div3A_385 = vector.broadcast %broadcast_in_dim3A_384 : vector<2048x1xf32> to vector<2048x8xf32>
    %div3A_386 = arith.divf %exp3A_381, %div3A_385 : vector<2048x8xf32>
    %iota3A_387 = tpu.iota {dimensions = array<i32: 1>} : vector<2048x8xi32>
    %reduce_max3A_388 = arith.constant dense<0xFF800000> : vector<2048xf32>
    %reduce_max3A_389 = vector.multi_reduction <maximumf>, %div3A_386, %reduce_max3A_388 [1] : vector<2048x8xf32> to vector<2048xf32>
    %broadcast_in_dim3A_390 = vector.shape_cast %reduce_max3A_389 : vector<2048xf32> to vector<2048x1xf32>
    %eq3A_391 = vector.broadcast %broadcast_in_dim3A_390 : vector<2048x1xf32> to vector<2048x8xf32>
    %eq3A_392 = arith.cmpf oeq, %div3A_386, %eq3A_391 : vector<2048x8xf32>
    %jit3A_393 = arith.constant 8 : i32
    %broadcast_in_dim3A_394 = vector.broadcast %jit3A_393 : i32 to vector<2048x8xi32>
    %select_n3A_395 = arith.select %eq3A_392, %iota3A_387, %broadcast_in_dim3A_394 : vector<2048x8xi1>, vector<2048x8xi32>
    %reduce_min3A_396 = arith.constant dense<2147483647> : vector<2048xi32>
    %reduce_min3A_397 = vector.multi_reduction <minsi>, %select_n3A_395, %reduce_min3A_396 [1] : vector<2048x8xi32> to vector<2048xi32>
    %broadcast_in_dim3A_398 = vector.shape_cast %reduce_min3A_397 : vector<2048xi32> to vector<2048x1xi32>
    %eq3A_399 = vector.broadcast %broadcast_in_dim3A_398 : vector<2048x1xi32> to vector<2048x8xi32>
    %eq3A_400 = arith.cmpi eq, %iota3A_387, %eq3A_399 : vector<2048x8xi32>
    %jit3A_401 = arith.constant -1.000000e+00 : f32
    %broadcast_in_dim3A_402 = vector.broadcast %jit3A_401 : f32 to vector<2048x8xf32>
    %select_n3A_403 = arith.select %eq3A_400, %broadcast_in_dim3A_402, %div3A_386 : vector<2048x8xi1>, vector<2048x8xf32>
    %reduce_max3A_404 = arith.constant dense<0xFF800000> : vector<2048xf32>
    %reduce_max3A_405 = vector.multi_reduction <maximumf>, %select_n3A_403, %reduce_max3A_404 [1] : vector<2048x8xf32> to vector<2048xf32>
    %broadcast_in_dim3A_406 = vector.shape_cast %reduce_max3A_405 : vector<2048xf32> to vector<2048x1xf32>
    %eq3A_407 = vector.broadcast %broadcast_in_dim3A_406 : vector<2048x1xf32> to vector<2048x8xf32>
    %eq3A_408 = arith.cmpf oeq, %select_n3A_403, %eq3A_407 : vector<2048x8xf32>
    %jit3A_409 = arith.constant 8 : i32
    %broadcast_in_dim3A_410 = vector.broadcast %jit3A_409 : i32 to vector<2048x8xi32>
    %select_n3A_411 = arith.select %eq3A_408, %iota3A_387, %broadcast_in_dim3A_410 : vector<2048x8xi1>, vector<2048x8xi32>
    %reduce_min3A_412 = arith.constant dense<2147483647> : vector<2048xi32>
    %reduce_min3A_413 = vector.multi_reduction <minsi>, %select_n3A_411, %reduce_min3A_412 [1] : vector<2048x8xi32> to vector<2048xi32>
    %broadcast_in_dim3A_414 = vector.shape_cast %reduce_min3A_413 : vector<2048xi32> to vector<2048x1xi32>
    %add3A_415 = arith.addf %broadcast_in_dim3A_390, %broadcast_in_dim3A_406 : vector<2048x1xf32>
    %add3A_416 = arith.constant 9.99999971E-10 : f32
    %add3A_417 = vector.broadcast %add3A_416 : f32 to vector<2048x1xf32>
    %add3A_418 = arith.addf %add3A_415, %add3A_417 : vector<2048x1xf32>
    %div3A_419 = arith.divf %broadcast_in_dim3A_390, %add3A_418 : vector<2048x1xf32>
    %div3A_420 = arith.divf %broadcast_in_dim3A_406, %add3A_418 : vector<2048x1xf32>
    %get3A_421 = arith.constant 7 : index
    %get3A_422 = arith.constant 0 : index
    %get3A_423 = arith.constant 0 : index
    %get3A_424 = vector.load %arg3[%get3A_421, %get3A_422, %get3A_423] : memref<8x768x8xf32, #tpu.memory_space<vmem>>, vector<1x768x8xf32>
    %get3A_425 = vector.shape_cast %get3A_424 : vector<1x768x8xf32> to vector<768x8xf32>
    %dot_general3A_426 = arith.constant dense<0.000000e+00> : vector<2048x8xf32>
    %dot_general3A_427 = tpu.matmul %mul3A_13, %get3A_425, %dot_general3A_426 {dimension_numbers = #tpu.dot_dimension_numbers<[1], [0], [0], [1], [0, 0, 1, 1], [], []>, transpose_lhs_hint = false} : vector<2048x768xf32>, vector<768x8xf32>, vector<2048x8xf32> -> vector<2048x8xf32>
    %reduce_max3A_428 = arith.constant dense<0xFF800000> : vector<2048xf32>
    %reduce_max3A_429 = vector.multi_reduction <maximumf>, %dot_general3A_427, %reduce_max3A_428 [1] : vector<2048x8xf32> to vector<2048xf32>
    %broadcast_in_dim3A_430 = vector.shape_cast %reduce_max3A_429 : vector<2048xf32> to vector<2048x1xf32>
    %sub3A_431 = vector.broadcast %broadcast_in_dim3A_430 : vector<2048x1xf32> to vector<2048x8xf32>
    %sub3A_432 = arith.subf %dot_general3A_427, %sub3A_431 : vector<2048x8xf32>
    %exp3A_433 = math.exp %sub3A_432 : vector<2048x8xf32>
    %reduce_sum3A_434 = arith.constant dense<0.000000e+00> : vector<2048xf32>
    %reduce_sum3A_435 = vector.multi_reduction <add>, %exp3A_433, %reduce_sum3A_434 [1] : vector<2048x8xf32> to vector<2048xf32>
    %broadcast_in_dim3A_436 = vector.shape_cast %reduce_sum3A_435 : vector<2048xf32> to vector<2048x1xf32>
    %div3A_437 = vector.broadcast %broadcast_in_dim3A_436 : vector<2048x1xf32> to vector<2048x8xf32>
    %div3A_438 = arith.divf %exp3A_433, %div3A_437 : vector<2048x8xf32>
    %iota3A_439 = tpu.iota {dimensions = array<i32: 1>} : vector<2048x8xi32>
    %reduce_max3A_440 = arith.constant dense<0xFF800000> : vector<2048xf32>
    %reduce_max3A_441 = vector.multi_reduction <maximumf>, %div3A_438, %reduce_max3A_440 [1] : vector<2048x8xf32> to vector<2048xf32>
    %broadcast_in_dim3A_442 = vector.shape_cast %reduce_max3A_441 : vector<2048xf32> to vector<2048x1xf32>
    %eq3A_443 = vector.broadcast %broadcast_in_dim3A_442 : vector<2048x1xf32> to vector<2048x8xf32>
    %eq3A_444 = arith.cmpf oeq, %div3A_438, %eq3A_443 : vector<2048x8xf32>
    %jit3A_445 = arith.constant 8 : i32
    %broadcast_in_dim3A_446 = vector.broadcast %jit3A_445 : i32 to vector<2048x8xi32>
    %select_n3A_447 = arith.select %eq3A_444, %iota3A_439, %broadcast_in_dim3A_446 : vector<2048x8xi1>, vector<2048x8xi32>
    %reduce_min3A_448 = arith.constant dense<2147483647> : vector<2048xi32>
    %reduce_min3A_449 = vector.multi_reduction <minsi>, %select_n3A_447, %reduce_min3A_448 [1] : vector<2048x8xi32> to vector<2048xi32>
    %broadcast_in_dim3A_450 = vector.shape_cast %reduce_min3A_449 : vector<2048xi32> to vector<2048x1xi32>
    %eq3A_451 = vector.broadcast %broadcast_in_dim3A_450 : vector<2048x1xi32> to vector<2048x8xi32>
    %eq3A_452 = arith.cmpi eq, %iota3A_439, %eq3A_451 : vector<2048x8xi32>
    %jit3A_453 = arith.constant -1.000000e+00 : f32
    %broadcast_in_dim3A_454 = vector.broadcast %jit3A_453 : f32 to vector<2048x8xf32>
    %select_n3A_455 = arith.select %eq3A_452, %broadcast_in_dim3A_454, %div3A_438 : vector<2048x8xi1>, vector<2048x8xf32>
    %reduce_max3A_456 = arith.constant dense<0xFF800000> : vector<2048xf32>
    %reduce_max3A_457 = vector.multi_reduction <maximumf>, %select_n3A_455, %reduce_max3A_456 [1] : vector<2048x8xf32> to vector<2048xf32>
    %broadcast_in_dim3A_458 = vector.shape_cast %reduce_max3A_457 : vector<2048xf32> to vector<2048x1xf32>
    %eq3A_459 = vector.broadcast %broadcast_in_dim3A_458 : vector<2048x1xf32> to vector<2048x8xf32>
    %eq3A_460 = arith.cmpf oeq, %select_n3A_455, %eq3A_459 : vector<2048x8xf32>
    %jit3A_461 = arith.constant 8 : i32
    %broadcast_in_dim3A_462 = vector.broadcast %jit3A_461 : i32 to vector<2048x8xi32>
    %select_n3A_463 = arith.select %eq3A_460, %iota3A_439, %broadcast_in_dim3A_462 : vector<2048x8xi1>, vector<2048x8xi32>
    %reduce_min3A_464 = arith.constant dense<2147483647> : vector<2048xi32>
    %reduce_min3A_465 = vector.multi_reduction <minsi>, %select_n3A_463, %reduce_min3A_464 [1] : vector<2048x8xi32> to vector<2048xi32>
    %broadcast_in_dim3A_466 = vector.shape_cast %reduce_min3A_465 : vector<2048xi32> to vector<2048x1xi32>
    %add3A_467 = arith.addf %broadcast_in_dim3A_442, %broadcast_in_dim3A_458 : vector<2048x1xf32>
    %add3A_468 = arith.constant 9.99999971E-10 : f32
    %add3A_469 = vector.broadcast %add3A_468 : f32 to vector<2048x1xf32>
    %add3A_470 = arith.addf %add3A_467, %add3A_469 : vector<2048x1xf32>
    %div3A_471 = arith.divf %broadcast_in_dim3A_442, %add3A_470 : vector<2048x1xf32>
    %div3A_472 = arith.divf %broadcast_in_dim3A_458, %add3A_470 : vector<2048x1xf32>
    %broadcast_in_dim3A_473 = arith.constant 0 : i32
    %broadcast_in_dim3A_474 = vector.broadcast %broadcast_in_dim3A_473 : i32 to vector<2048x1xi32>
    %eq3A_475 = arith.constant 0 : i32
    %eq3A_476 = vector.broadcast %eq3A_475 : i32 to vector<2048x1xi32>
    %eq3A_477 = arith.cmpi eq, %broadcast_in_dim3A_34, %eq3A_476 : vector<2048x1xi32>
    %broadcast_in_dim3A_478 = arith.constant 0 : i32
    %broadcast_in_dim3A_479 = vector.broadcast %broadcast_in_dim3A_478 : i32 to vector<2048x1xi32>
    %select_n3A_480 = arith.select %eq3A_477, %broadcast_in_dim3A_86, %broadcast_in_dim3A_479 : vector<2048x1xi1>, vector<2048x1xi32>
    %add3A_481 = arith.addi %broadcast_in_dim3A_474, %select_n3A_480 : vector<2048x1xi32>
    %eq3A_482 = arith.constant 1 : i32
    %eq3A_483 = vector.broadcast %eq3A_482 : i32 to vector<2048x1xi32>
    %eq3A_484 = arith.cmpi eq, %broadcast_in_dim3A_34, %eq3A_483 : vector<2048x1xi32>
    %broadcast_in_dim3A_485 = arith.constant 0 : i32
    %broadcast_in_dim3A_486 = vector.broadcast %broadcast_in_dim3A_485 : i32 to vector<2048x1xi32>
    %select_n3A_487 = arith.select %eq3A_484, %broadcast_in_dim3A_138, %broadcast_in_dim3A_486 : vector<2048x1xi1>, vector<2048x1xi32>
    %add3A_488 = arith.addi %add3A_481, %select_n3A_487 : vector<2048x1xi32>
    %eq3A_489 = arith.constant 2 : i32
    %eq3A_490 = vector.broadcast %eq3A_489 : i32 to vector<2048x1xi32>
    %eq3A_491 = arith.cmpi eq, %broadcast_in_dim3A_34, %eq3A_490 : vector<2048x1xi32>
    %broadcast_in_dim3A_492 = arith.constant 0 : i32
    %broadcast_in_dim3A_493 = vector.broadcast %broadcast_in_dim3A_492 : i32 to vector<2048x1xi32>
    %select_n3A_494 = arith.select %eq3A_491, %broadcast_in_dim3A_190, %broadcast_in_dim3A_493 : vector<2048x1xi1>, vector<2048x1xi32>
    %add3A_495 = arith.addi %add3A_488, %select_n3A_494 : vector<2048x1xi32>
    %eq3A_496 = arith.constant 3 : i32
    %eq3A_497 = vector.broadcast %eq3A_496 : i32 to vector<2048x1xi32>
    %eq3A_498 = arith.cmpi eq, %broadcast_in_dim3A_34, %eq3A_497 : vector<2048x1xi32>
    %broadcast_in_dim3A_499 = arith.constant 0 : i32
    %broadcast_in_dim3A_500 = vector.broadcast %broadcast_in_dim3A_499 : i32 to vector<2048x1xi32>
    %select_n3A_501 = arith.select %eq3A_498, %broadcast_in_dim3A_242, %broadcast_in_dim3A_500 : vector<2048x1xi1>, vector<2048x1xi32>
    %add3A_502 = arith.addi %add3A_495, %select_n3A_501 : vector<2048x1xi32>
    %eq3A_503 = arith.constant 4 : i32
    %eq3A_504 = vector.broadcast %eq3A_503 : i32 to vector<2048x1xi32>
    %eq3A_505 = arith.cmpi eq, %broadcast_in_dim3A_34, %eq3A_504 : vector<2048x1xi32>
    %broadcast_in_dim3A_506 = arith.constant 0 : i32
    %broadcast_in_dim3A_507 = vector.broadcast %broadcast_in_dim3A_506 : i32 to vector<2048x1xi32>
    %select_n3A_508 = arith.select %eq3A_505, %broadcast_in_dim3A_294, %broadcast_in_dim3A_507 : vector<2048x1xi1>, vector<2048x1xi32>
    %add3A_509 = arith.addi %add3A_502, %select_n3A_508 : vector<2048x1xi32>
    %eq3A_510 = arith.constant 5 : i32
    %eq3A_511 = vector.broadcast %eq3A_510 : i32 to vector<2048x1xi32>
    %eq3A_512 = arith.cmpi eq, %broadcast_in_dim3A_34, %eq3A_511 : vector<2048x1xi32>
    %broadcast_in_dim3A_513 = arith.constant 0 : i32
    %broadcast_in_dim3A_514 = vector.broadcast %broadcast_in_dim3A_513 : i32 to vector<2048x1xi32>
    %select_n3A_515 = arith.select %eq3A_512, %broadcast_in_dim3A_346, %broadcast_in_dim3A_514 : vector<2048x1xi1>, vector<2048x1xi32>
    %add3A_516 = arith.addi %add3A_509, %select_n3A_515 : vector<2048x1xi32>
    %eq3A_517 = arith.constant 6 : i32
    %eq3A_518 = vector.broadcast %eq3A_517 : i32 to vector<2048x1xi32>
    %eq3A_519 = arith.cmpi eq, %broadcast_in_dim3A_34, %eq3A_518 : vector<2048x1xi32>
    %broadcast_in_dim3A_520 = arith.constant 0 : i32
    %broadcast_in_dim3A_521 = vector.broadcast %broadcast_in_dim3A_520 : i32 to vector<2048x1xi32>
    %select_n3A_522 = arith.select %eq3A_519, %broadcast_in_dim3A_398, %broadcast_in_dim3A_521 : vector<2048x1xi1>, vector<2048x1xi32>
    %add3A_523 = arith.addi %add3A_516, %select_n3A_522 : vector<2048x1xi32>
    %eq3A_524 = arith.constant 7 : i32
    %eq3A_525 = vector.broadcast %eq3A_524 : i32 to vector<2048x1xi32>
    %eq3A_526 = arith.cmpi eq, %broadcast_in_dim3A_34, %eq3A_525 : vector<2048x1xi32>
    %broadcast_in_dim3A_527 = arith.constant 0 : i32
    %broadcast_in_dim3A_528 = vector.broadcast %broadcast_in_dim3A_527 : i32 to vector<2048x1xi32>
    %select_n3A_529 = arith.select %eq3A_526, %broadcast_in_dim3A_450, %broadcast_in_dim3A_528 : vector<2048x1xi1>, vector<2048x1xi32>
    %add3A_530 = arith.addi %add3A_523, %select_n3A_529 : vector<2048x1xi32>
    %broadcast_in_dim3A_531 = arith.constant 0 : i32
    %broadcast_in_dim3A_532 = vector.broadcast %broadcast_in_dim3A_531 : i32 to vector<2048x1xi32>
    %eq3A_533 = arith.constant 0 : i32
    %eq3A_534 = vector.broadcast %eq3A_533 : i32 to vector<2048x1xi32>
    %eq3A_535 = arith.cmpi eq, %broadcast_in_dim3A_34, %eq3A_534 : vector<2048x1xi32>
    %broadcast_in_dim3A_536 = arith.constant 0 : i32
    %broadcast_in_dim3A_537 = vector.broadcast %broadcast_in_dim3A_536 : i32 to vector<2048x1xi32>
    %select_n3A_538 = arith.select %eq3A_535, %broadcast_in_dim3A_102, %broadcast_in_dim3A_537 : vector<2048x1xi1>, vector<2048x1xi32>
    %add3A_539 = arith.addi %broadcast_in_dim3A_532, %select_n3A_538 : vector<2048x1xi32>
    %eq3A_540 = arith.constant 1 : i32
    %eq3A_541 = vector.broadcast %eq3A_540 : i32 to vector<2048x1xi32>
    %eq3A_542 = arith.cmpi eq, %broadcast_in_dim3A_34, %eq3A_541 : vector<2048x1xi32>
    %broadcast_in_dim3A_543 = arith.constant 0 : i32
    %broadcast_in_dim3A_544 = vector.broadcast %broadcast_in_dim3A_543 : i32 to vector<2048x1xi32>
    %select_n3A_545 = arith.select %eq3A_542, %broadcast_in_dim3A_154, %broadcast_in_dim3A_544 : vector<2048x1xi1>, vector<2048x1xi32>
    %add3A_546 = arith.addi %add3A_539, %select_n3A_545 : vector<2048x1xi32>
    %eq3A_547 = arith.constant 2 : i32
    %eq3A_548 = vector.broadcast %eq3A_547 : i32 to vector<2048x1xi32>
    %eq3A_549 = arith.cmpi eq, %broadcast_in_dim3A_34, %eq3A_548 : vector<2048x1xi32>
    %broadcast_in_dim3A_550 = arith.constant 0 : i32
    %broadcast_in_dim3A_551 = vector.broadcast %broadcast_in_dim3A_550 : i32 to vector<2048x1xi32>
    %select_n3A_552 = arith.select %eq3A_549, %broadcast_in_dim3A_206, %broadcast_in_dim3A_551 : vector<2048x1xi1>, vector<2048x1xi32>
    %add3A_553 = arith.addi %add3A_546, %select_n3A_552 : vector<2048x1xi32>
    %eq3A_554 = arith.constant 3 : i32
    %eq3A_555 = vector.broadcast %eq3A_554 : i32 to vector<2048x1xi32>
    %eq3A_556 = arith.cmpi eq, %broadcast_in_dim3A_34, %eq3A_555 : vector<2048x1xi32>
    %broadcast_in_dim3A_557 = arith.constant 0 : i32
    %broadcast_in_dim3A_558 = vector.broadcast %broadcast_in_dim3A_557 : i32 to vector<2048x1xi32>
    %select_n3A_559 = arith.select %eq3A_556, %broadcast_in_dim3A_258, %broadcast_in_dim3A_558 : vector<2048x1xi1>, vector<2048x1xi32>
    %add3A_560 = arith.addi %add3A_553, %select_n3A_559 : vector<2048x1xi32>
    %eq3A_561 = arith.constant 4 : i32
    %eq3A_562 = vector.broadcast %eq3A_561 : i32 to vector<2048x1xi32>
    %eq3A_563 = arith.cmpi eq, %broadcast_in_dim3A_34, %eq3A_562 : vector<2048x1xi32>
    %broadcast_in_dim3A_564 = arith.constant 0 : i32
    %broadcast_in_dim3A_565 = vector.broadcast %broadcast_in_dim3A_564 : i32 to vector<2048x1xi32>
    %select_n3A_566 = arith.select %eq3A_563, %broadcast_in_dim3A_310, %broadcast_in_dim3A_565 : vector<2048x1xi1>, vector<2048x1xi32>
    %add3A_567 = arith.addi %add3A_560, %select_n3A_566 : vector<2048x1xi32>
    %eq3A_568 = arith.constant 5 : i32
    %eq3A_569 = vector.broadcast %eq3A_568 : i32 to vector<2048x1xi32>
    %eq3A_570 = arith.cmpi eq, %broadcast_in_dim3A_34, %eq3A_569 : vector<2048x1xi32>
    %broadcast_in_dim3A_571 = arith.constant 0 : i32
    %broadcast_in_dim3A_572 = vector.broadcast %broadcast_in_dim3A_571 : i32 to vector<2048x1xi32>
    %select_n3A_573 = arith.select %eq3A_570, %broadcast_in_dim3A_362, %broadcast_in_dim3A_572 : vector<2048x1xi1>, vector<2048x1xi32>
    %add3A_574 = arith.addi %add3A_567, %select_n3A_573 : vector<2048x1xi32>
    %eq3A_575 = arith.constant 6 : i32
    %eq3A_576 = vector.broadcast %eq3A_575 : i32 to vector<2048x1xi32>
    %eq3A_577 = arith.cmpi eq, %broadcast_in_dim3A_34, %eq3A_576 : vector<2048x1xi32>
    %broadcast_in_dim3A_578 = arith.constant 0 : i32
    %broadcast_in_dim3A_579 = vector.broadcast %broadcast_in_dim3A_578 : i32 to vector<2048x1xi32>
    %select_n3A_580 = arith.select %eq3A_577, %broadcast_in_dim3A_414, %broadcast_in_dim3A_579 : vector<2048x1xi1>, vector<2048x1xi32>
    %add3A_581 = arith.addi %add3A_574, %select_n3A_580 : vector<2048x1xi32>
    %eq3A_582 = arith.constant 7 : i32
    %eq3A_583 = vector.broadcast %eq3A_582 : i32 to vector<2048x1xi32>
    %eq3A_584 = arith.cmpi eq, %broadcast_in_dim3A_34, %eq3A_583 : vector<2048x1xi32>
    %broadcast_in_dim3A_585 = arith.constant 0 : i32
    %broadcast_in_dim3A_586 = vector.broadcast %broadcast_in_dim3A_585 : i32 to vector<2048x1xi32>
    %select_n3A_587 = arith.select %eq3A_584, %broadcast_in_dim3A_466, %broadcast_in_dim3A_586 : vector<2048x1xi1>, vector<2048x1xi32>
    %add3A_588 = arith.addi %add3A_581, %select_n3A_587 : vector<2048x1xi32>
    %broadcast_in_dim3A_589 = arith.constant 0.000000e+00 : f32
    %broadcast_in_dim3A_590 = vector.broadcast %broadcast_in_dim3A_589 : f32 to vector<2048x1xf32>
    %eq3A_591 = arith.constant 0 : i32
    %eq3A_592 = vector.broadcast %eq3A_591 : i32 to vector<2048x1xi32>
    %eq3A_593 = arith.cmpi eq, %broadcast_in_dim3A_34, %eq3A_592 : vector<2048x1xi32>
    %broadcast_in_dim3A_594 = arith.constant 0.000000e+00 : f32
    %broadcast_in_dim3A_595 = vector.broadcast %broadcast_in_dim3A_594 : f32 to vector<2048x1xf32>
    %select_n3A_596 = arith.select %eq3A_593, %div3A_107, %broadcast_in_dim3A_595 : vector<2048x1xi1>, vector<2048x1xf32>
    %add3A_597 = arith.addf %broadcast_in_dim3A_590, %select_n3A_596 : vector<2048x1xf32>
    %eq3A_598 = arith.constant 1 : i32
    %eq3A_599 = vector.broadcast %eq3A_598 : i32 to vector<2048x1xi32>
    %eq3A_600 = arith.cmpi eq, %broadcast_in_dim3A_34, %eq3A_599 : vector<2048x1xi32>
    %broadcast_in_dim3A_601 = arith.constant 0.000000e+00 : f32
    %broadcast_in_dim3A_602 = vector.broadcast %broadcast_in_dim3A_601 : f32 to vector<2048x1xf32>
    %select_n3A_603 = arith.select %eq3A_600, %div3A_159, %broadcast_in_dim3A_602 : vector<2048x1xi1>, vector<2048x1xf32>
    %add3A_604 = arith.addf %add3A_597, %select_n3A_603 : vector<2048x1xf32>
    %eq3A_605 = arith.constant 2 : i32
    %eq3A_606 = vector.broadcast %eq3A_605 : i32 to vector<2048x1xi32>
    %eq3A_607 = arith.cmpi eq, %broadcast_in_dim3A_34, %eq3A_606 : vector<2048x1xi32>
    %broadcast_in_dim3A_608 = arith.constant 0.000000e+00 : f32
    %broadcast_in_dim3A_609 = vector.broadcast %broadcast_in_dim3A_608 : f32 to vector<2048x1xf32>
    %select_n3A_610 = arith.select %eq3A_607, %div3A_211, %broadcast_in_dim3A_609 : vector<2048x1xi1>, vector<2048x1xf32>
    %add3A_611 = arith.addf %add3A_604, %select_n3A_610 : vector<2048x1xf32>
    %eq3A_612 = arith.constant 3 : i32
    %eq3A_613 = vector.broadcast %eq3A_612 : i32 to vector<2048x1xi32>
    %eq3A_614 = arith.cmpi eq, %broadcast_in_dim3A_34, %eq3A_613 : vector<2048x1xi32>
    %broadcast_in_dim3A_615 = arith.constant 0.000000e+00 : f32
    %broadcast_in_dim3A_616 = vector.broadcast %broadcast_in_dim3A_615 : f32 to vector<2048x1xf32>
    %select_n3A_617 = arith.select %eq3A_614, %div3A_263, %broadcast_in_dim3A_616 : vector<2048x1xi1>, vector<2048x1xf32>
    %add3A_618 = arith.addf %add3A_611, %select_n3A_617 : vector<2048x1xf32>
    %eq3A_619 = arith.constant 4 : i32
    %eq3A_620 = vector.broadcast %eq3A_619 : i32 to vector<2048x1xi32>
    %eq3A_621 = arith.cmpi eq, %broadcast_in_dim3A_34, %eq3A_620 : vector<2048x1xi32>
    %broadcast_in_dim3A_622 = arith.constant 0.000000e+00 : f32
    %broadcast_in_dim3A_623 = vector.broadcast %broadcast_in_dim3A_622 : f32 to vector<2048x1xf32>
    %select_n3A_624 = arith.select %eq3A_621, %div3A_315, %broadcast_in_dim3A_623 : vector<2048x1xi1>, vector<2048x1xf32>
    %add3A_625 = arith.addf %add3A_618, %select_n3A_624 : vector<2048x1xf32>
    %eq3A_626 = arith.constant 5 : i32
    %eq3A_627 = vector.broadcast %eq3A_626 : i32 to vector<2048x1xi32>
    %eq3A_628 = arith.cmpi eq, %broadcast_in_dim3A_34, %eq3A_627 : vector<2048x1xi32>
    %broadcast_in_dim3A_629 = arith.constant 0.000000e+00 : f32
    %broadcast_in_dim3A_630 = vector.broadcast %broadcast_in_dim3A_629 : f32 to vector<2048x1xf32>
    %select_n3A_631 = arith.select %eq3A_628, %div3A_367, %broadcast_in_dim3A_630 : vector<2048x1xi1>, vector<2048x1xf32>
    %add3A_632 = arith.addf %add3A_625, %select_n3A_631 : vector<2048x1xf32>
    %eq3A_633 = arith.constant 6 : i32
    %eq3A_634 = vector.broadcast %eq3A_633 : i32 to vector<2048x1xi32>
    %eq3A_635 = arith.cmpi eq, %broadcast_in_dim3A_34, %eq3A_634 : vector<2048x1xi32>
    %broadcast_in_dim3A_636 = arith.constant 0.000000e+00 : f32
    %broadcast_in_dim3A_637 = vector.broadcast %broadcast_in_dim3A_636 : f32 to vector<2048x1xf32>
    %select_n3A_638 = arith.select %eq3A_635, %div3A_419, %broadcast_in_dim3A_637 : vector<2048x1xi1>, vector<2048x1xf32>
    %add3A_639 = arith.addf %add3A_632, %select_n3A_638 : vector<2048x1xf32>
    %eq3A_640 = arith.constant 7 : i32
    %eq3A_641 = vector.broadcast %eq3A_640 : i32 to vector<2048x1xi32>
    %eq3A_642 = arith.cmpi eq, %broadcast_in_dim3A_34, %eq3A_641 : vector<2048x1xi32>
    %broadcast_in_dim3A_643 = arith.constant 0.000000e+00 : f32
    %broadcast_in_dim3A_644 = vector.broadcast %broadcast_in_dim3A_643 : f32 to vector<2048x1xf32>
    %select_n3A_645 = arith.select %eq3A_642, %div3A_471, %broadcast_in_dim3A_644 : vector<2048x1xi1>, vector<2048x1xf32>
    %add3A_646 = arith.addf %add3A_639, %select_n3A_645 : vector<2048x1xf32>
    %broadcast_in_dim3A_647 = arith.constant 0.000000e+00 : f32
    %broadcast_in_dim3A_648 = vector.broadcast %broadcast_in_dim3A_647 : f32 to vector<2048x1xf32>
    %eq3A_649 = arith.constant 0 : i32
    %eq3A_650 = vector.broadcast %eq3A_649 : i32 to vector<2048x1xi32>
    %eq3A_651 = arith.cmpi eq, %broadcast_in_dim3A_34, %eq3A_650 : vector<2048x1xi32>
    %broadcast_in_dim3A_652 = arith.constant 0.000000e+00 : f32
    %broadcast_in_dim3A_653 = vector.broadcast %broadcast_in_dim3A_652 : f32 to vector<2048x1xf32>
    %select_n3A_654 = arith.select %eq3A_651, %div3A_108, %broadcast_in_dim3A_653 : vector<2048x1xi1>, vector<2048x1xf32>
    %add3A_655 = arith.addf %broadcast_in_dim3A_648, %select_n3A_654 : vector<2048x1xf32>
    %eq3A_656 = arith.constant 1 : i32
    %eq3A_657 = vector.broadcast %eq3A_656 : i32 to vector<2048x1xi32>
    %eq3A_658 = arith.cmpi eq, %broadcast_in_dim3A_34, %eq3A_657 : vector<2048x1xi32>
    %broadcast_in_dim3A_659 = arith.constant 0.000000e+00 : f32
    %broadcast_in_dim3A_660 = vector.broadcast %broadcast_in_dim3A_659 : f32 to vector<2048x1xf32>
    %select_n3A_661 = arith.select %eq3A_658, %div3A_160, %broadcast_in_dim3A_660 : vector<2048x1xi1>, vector<2048x1xf32>
    %add3A_662 = arith.addf %add3A_655, %select_n3A_661 : vector<2048x1xf32>
    %eq3A_663 = arith.constant 2 : i32
    %eq3A_664 = vector.broadcast %eq3A_663 : i32 to vector<2048x1xi32>
    %eq3A_665 = arith.cmpi eq, %broadcast_in_dim3A_34, %eq3A_664 : vector<2048x1xi32>
    %broadcast_in_dim3A_666 = arith.constant 0.000000e+00 : f32
    %broadcast_in_dim3A_667 = vector.broadcast %broadcast_in_dim3A_666 : f32 to vector<2048x1xf32>
    %select_n3A_668 = arith.select %eq3A_665, %div3A_212, %broadcast_in_dim3A_667 : vector<2048x1xi1>, vector<2048x1xf32>
    %add3A_669 = arith.addf %add3A_662, %select_n3A_668 : vector<2048x1xf32>
    %eq3A_670 = arith.constant 3 : i32
    %eq3A_671 = vector.broadcast %eq3A_670 : i32 to vector<2048x1xi32>
    %eq3A_672 = arith.cmpi eq, %broadcast_in_dim3A_34, %eq3A_671 : vector<2048x1xi32>
    %broadcast_in_dim3A_673 = arith.constant 0.000000e+00 : f32
    %broadcast_in_dim3A_674 = vector.broadcast %broadcast_in_dim3A_673 : f32 to vector<2048x1xf32>
    %select_n3A_675 = arith.select %eq3A_672, %div3A_264, %broadcast_in_dim3A_674 : vector<2048x1xi1>, vector<2048x1xf32>
    %add3A_676 = arith.addf %add3A_669, %select_n3A_675 : vector<2048x1xf32>
    %eq3A_677 = arith.constant 4 : i32
    %eq3A_678 = vector.broadcast %eq3A_677 : i32 to vector<2048x1xi32>
    %eq3A_679 = arith.cmpi eq, %broadcast_in_dim3A_34, %eq3A_678 : vector<2048x1xi32>
    %broadcast_in_dim3A_680 = arith.constant 0.000000e+00 : f32
    %broadcast_in_dim3A_681 = vector.broadcast %broadcast_in_dim3A_680 : f32 to vector<2048x1xf32>
    %select_n3A_682 = arith.select %eq3A_679, %div3A_316, %broadcast_in_dim3A_681 : vector<2048x1xi1>, vector<2048x1xf32>
    %add3A_683 = arith.addf %add3A_676, %select_n3A_682 : vector<2048x1xf32>
    %eq3A_684 = arith.constant 5 : i32
    %eq3A_685 = vector.broadcast %eq3A_684 : i32 to vector<2048x1xi32>
    %eq3A_686 = arith.cmpi eq, %broadcast_in_dim3A_34, %eq3A_685 : vector<2048x1xi32>
    %broadcast_in_dim3A_687 = arith.constant 0.000000e+00 : f32
    %broadcast_in_dim3A_688 = vector.broadcast %broadcast_in_dim3A_687 : f32 to vector<2048x1xf32>
    %select_n3A_689 = arith.select %eq3A_686, %div3A_368, %broadcast_in_dim3A_688 : vector<2048x1xi1>, vector<2048x1xf32>
    %add3A_690 = arith.addf %add3A_683, %select_n3A_689 : vector<2048x1xf32>
    %eq3A_691 = arith.constant 6 : i32
    %eq3A_692 = vector.broadcast %eq3A_691 : i32 to vector<2048x1xi32>
    %eq3A_693 = arith.cmpi eq, %broadcast_in_dim3A_34, %eq3A_692 : vector<2048x1xi32>
    %broadcast_in_dim3A_694 = arith.constant 0.000000e+00 : f32
    %broadcast_in_dim3A_695 = vector.broadcast %broadcast_in_dim3A_694 : f32 to vector<2048x1xf32>
    %select_n3A_696 = arith.select %eq3A_693, %div3A_420, %broadcast_in_dim3A_695 : vector<2048x1xi1>, vector<2048x1xf32>
    %add3A_697 = arith.addf %add3A_690, %select_n3A_696 : vector<2048x1xf32>
    %eq3A_698 = arith.constant 7 : i32
    %eq3A_699 = vector.broadcast %eq3A_698 : i32 to vector<2048x1xi32>
    %eq3A_700 = arith.cmpi eq, %broadcast_in_dim3A_34, %eq3A_699 : vector<2048x1xi32>
    %broadcast_in_dim3A_701 = arith.constant 0.000000e+00 : f32
    %broadcast_in_dim3A_702 = vector.broadcast %broadcast_in_dim3A_701 : f32 to vector<2048x1xf32>
    %select_n3A_703 = arith.select %eq3A_700, %div3A_472, %broadcast_in_dim3A_702 : vector<2048x1xi1>, vector<2048x1xf32>
    %add3A_704 = arith.addf %add3A_697, %select_n3A_703 : vector<2048x1xf32>
    %mul3A_705 = arith.constant 8 : i32
    %mul3A_706 = vector.broadcast %mul3A_705 : i32 to vector<2048x1xi32>
    %mul3A_707 = arith.muli %broadcast_in_dim3A_34, %mul3A_706 : vector<2048x1xi32>
    %add3A_708 = arith.addi %mul3A_707, %add3A_530 : vector<2048x1xi32>
    %mul3A_709 = arith.constant 8 : i32
    %mul3A_710 = vector.broadcast %mul3A_709 : i32 to vector<2048x1xi32>
    %mul3A_711 = arith.muli %broadcast_in_dim3A_34, %mul3A_710 : vector<2048x1xi32>
    %add3A_712 = arith.addi %mul3A_711, %add3A_588 : vector<2048x1xi32>
    %mul3A_713 = arith.mulf %div3A_55, %add3A_646 : vector<2048x1xf32>
    %mul3A_714 = arith.mulf %div3A_55, %add3A_704 : vector<2048x1xf32>
    %broadcast_in_dim3A_715 = arith.constant 0 : i32
    %broadcast_in_dim3A_716 = vector.broadcast %broadcast_in_dim3A_715 : i32 to vector<2048x1xi32>
    %eq3A_717 = arith.constant 0 : i32
    %eq3A_718 = vector.broadcast %eq3A_717 : i32 to vector<2048x1xi32>
    %eq3A_719 = arith.cmpi eq, %broadcast_in_dim3A_50, %eq3A_718 : vector<2048x1xi32>
    %broadcast_in_dim3A_720 = arith.constant 0 : i32
    %broadcast_in_dim3A_721 = vector.broadcast %broadcast_in_dim3A_720 : i32 to vector<2048x1xi32>
    %select_n3A_722 = arith.select %eq3A_719, %broadcast_in_dim3A_86, %broadcast_in_dim3A_721 : vector<2048x1xi1>, vector<2048x1xi32>
    %add3A_723 = arith.addi %broadcast_in_dim3A_716, %select_n3A_722 : vector<2048x1xi32>
    %eq3A_724 = arith.constant 1 : i32
    %eq3A_725 = vector.broadcast %eq3A_724 : i32 to vector<2048x1xi32>
    %eq3A_726 = arith.cmpi eq, %broadcast_in_dim3A_50, %eq3A_725 : vector<2048x1xi32>
    %broadcast_in_dim3A_727 = arith.constant 0 : i32
    %broadcast_in_dim3A_728 = vector.broadcast %broadcast_in_dim3A_727 : i32 to vector<2048x1xi32>
    %select_n3A_729 = arith.select %eq3A_726, %broadcast_in_dim3A_138, %broadcast_in_dim3A_728 : vector<2048x1xi1>, vector<2048x1xi32>
    %add3A_730 = arith.addi %add3A_723, %select_n3A_729 : vector<2048x1xi32>
    %eq3A_731 = arith.constant 2 : i32
    %eq3A_732 = vector.broadcast %eq3A_731 : i32 to vector<2048x1xi32>
    %eq3A_733 = arith.cmpi eq, %broadcast_in_dim3A_50, %eq3A_732 : vector<2048x1xi32>
    %broadcast_in_dim3A_734 = arith.constant 0 : i32
    %broadcast_in_dim3A_735 = vector.broadcast %broadcast_in_dim3A_734 : i32 to vector<2048x1xi32>
    %select_n3A_736 = arith.select %eq3A_733, %broadcast_in_dim3A_190, %broadcast_in_dim3A_735 : vector<2048x1xi1>, vector<2048x1xi32>
    %add3A_737 = arith.addi %add3A_730, %select_n3A_736 : vector<2048x1xi32>
    %eq3A_738 = arith.constant 3 : i32
    %eq3A_739 = vector.broadcast %eq3A_738 : i32 to vector<2048x1xi32>
    %eq3A_740 = arith.cmpi eq, %broadcast_in_dim3A_50, %eq3A_739 : vector<2048x1xi32>
    %broadcast_in_dim3A_741 = arith.constant 0 : i32
    %broadcast_in_dim3A_742 = vector.broadcast %broadcast_in_dim3A_741 : i32 to vector<2048x1xi32>
    %select_n3A_743 = arith.select %eq3A_740, %broadcast_in_dim3A_242, %broadcast_in_dim3A_742 : vector<2048x1xi1>, vector<2048x1xi32>
    %add3A_744 = arith.addi %add3A_737, %select_n3A_743 : vector<2048x1xi32>
    %eq3A_745 = arith.constant 4 : i32
    %eq3A_746 = vector.broadcast %eq3A_745 : i32 to vector<2048x1xi32>
    %eq3A_747 = arith.cmpi eq, %broadcast_in_dim3A_50, %eq3A_746 : vector<2048x1xi32>
    %broadcast_in_dim3A_748 = arith.constant 0 : i32
    %broadcast_in_dim3A_749 = vector.broadcast %broadcast_in_dim3A_748 : i32 to vector<2048x1xi32>
    %select_n3A_750 = arith.select %eq3A_747, %broadcast_in_dim3A_294, %broadcast_in_dim3A_749 : vector<2048x1xi1>, vector<2048x1xi32>
    %add3A_751 = arith.addi %add3A_744, %select_n3A_750 : vector<2048x1xi32>
    %eq3A_752 = arith.constant 5 : i32
    %eq3A_753 = vector.broadcast %eq3A_752 : i32 to vector<2048x1xi32>
    %eq3A_754 = arith.cmpi eq, %broadcast_in_dim3A_50, %eq3A_753 : vector<2048x1xi32>
    %broadcast_in_dim3A_755 = arith.constant 0 : i32
    %broadcast_in_dim3A_756 = vector.broadcast %broadcast_in_dim3A_755 : i32 to vector<2048x1xi32>
    %select_n3A_757 = arith.select %eq3A_754, %broadcast_in_dim3A_346, %broadcast_in_dim3A_756 : vector<2048x1xi1>, vector<2048x1xi32>
    %add3A_758 = arith.addi %add3A_751, %select_n3A_757 : vector<2048x1xi32>
    %eq3A_759 = arith.constant 6 : i32
    %eq3A_760 = vector.broadcast %eq3A_759 : i32 to vector<2048x1xi32>
    %eq3A_761 = arith.cmpi eq, %broadcast_in_dim3A_50, %eq3A_760 : vector<2048x1xi32>
    %broadcast_in_dim3A_762 = arith.constant 0 : i32
    %broadcast_in_dim3A_763 = vector.broadcast %broadcast_in_dim3A_762 : i32 to vector<2048x1xi32>
    %select_n3A_764 = arith.select %eq3A_761, %broadcast_in_dim3A_398, %broadcast_in_dim3A_763 : vector<2048x1xi1>, vector<2048x1xi32>
    %add3A_765 = arith.addi %add3A_758, %select_n3A_764 : vector<2048x1xi32>
    %eq3A_766 = arith.constant 7 : i32
    %eq3A_767 = vector.broadcast %eq3A_766 : i32 to vector<2048x1xi32>
    %eq3A_768 = arith.cmpi eq, %broadcast_in_dim3A_50, %eq3A_767 : vector<2048x1xi32>
    %broadcast_in_dim3A_769 = arith.constant 0 : i32
    %broadcast_in_dim3A_770 = vector.broadcast %broadcast_in_dim3A_769 : i32 to vector<2048x1xi32>
    %select_n3A_771 = arith.select %eq3A_768, %broadcast_in_dim3A_450, %broadcast_in_dim3A_770 : vector<2048x1xi1>, vector<2048x1xi32>
    %add3A_772 = arith.addi %add3A_765, %select_n3A_771 : vector<2048x1xi32>
    %broadcast_in_dim3A_773 = arith.constant 0 : i32
    %broadcast_in_dim3A_774 = vector.broadcast %broadcast_in_dim3A_773 : i32 to vector<2048x1xi32>
    %eq3A_775 = arith.constant 0 : i32
    %eq3A_776 = vector.broadcast %eq3A_775 : i32 to vector<2048x1xi32>
    %eq3A_777 = arith.cmpi eq, %broadcast_in_dim3A_50, %eq3A_776 : vector<2048x1xi32>
    %broadcast_in_dim3A_778 = arith.constant 0 : i32
    %broadcast_in_dim3A_779 = vector.broadcast %broadcast_in_dim3A_778 : i32 to vector<2048x1xi32>
    %select_n3A_780 = arith.select %eq3A_777, %broadcast_in_dim3A_102, %broadcast_in_dim3A_779 : vector<2048x1xi1>, vector<2048x1xi32>
    %add3A_781 = arith.addi %broadcast_in_dim3A_774, %select_n3A_780 : vector<2048x1xi32>
    %eq3A_782 = arith.constant 1 : i32
    %eq3A_783 = vector.broadcast %eq3A_782 : i32 to vector<2048x1xi32>
    %eq3A_784 = arith.cmpi eq, %broadcast_in_dim3A_50, %eq3A_783 : vector<2048x1xi32>
    %broadcast_in_dim3A_785 = arith.constant 0 : i32
    %broadcast_in_dim3A_786 = vector.broadcast %broadcast_in_dim3A_785 : i32 to vector<2048x1xi32>
    %select_n3A_787 = arith.select %eq3A_784, %broadcast_in_dim3A_154, %broadcast_in_dim3A_786 : vector<2048x1xi1>, vector<2048x1xi32>
    %add3A_788 = arith.addi %add3A_781, %select_n3A_787 : vector<2048x1xi32>
    %eq3A_789 = arith.constant 2 : i32
    %eq3A_790 = vector.broadcast %eq3A_789 : i32 to vector<2048x1xi32>
    %eq3A_791 = arith.cmpi eq, %broadcast_in_dim3A_50, %eq3A_790 : vector<2048x1xi32>
    %broadcast_in_dim3A_792 = arith.constant 0 : i32
    %broadcast_in_dim3A_793 = vector.broadcast %broadcast_in_dim3A_792 : i32 to vector<2048x1xi32>
    %select_n3A_794 = arith.select %eq3A_791, %broadcast_in_dim3A_206, %broadcast_in_dim3A_793 : vector<2048x1xi1>, vector<2048x1xi32>
    %add3A_795 = arith.addi %add3A_788, %select_n3A_794 : vector<2048x1xi32>
    %eq3A_796 = arith.constant 3 : i32
    %eq3A_797 = vector.broadcast %eq3A_796 : i32 to vector<2048x1xi32>
    %eq3A_798 = arith.cmpi eq, %broadcast_in_dim3A_50, %eq3A_797 : vector<2048x1xi32>
    %broadcast_in_dim3A_799 = arith.constant 0 : i32
    %broadcast_in_dim3A_800 = vector.broadcast %broadcast_in_dim3A_799 : i32 to vector<2048x1xi32>
    %select_n3A_801 = arith.select %eq3A_798, %broadcast_in_dim3A_258, %broadcast_in_dim3A_800 : vector<2048x1xi1>, vector<2048x1xi32>
    %add3A_802 = arith.addi %add3A_795, %select_n3A_801 : vector<2048x1xi32>
    %eq3A_803 = arith.constant 4 : i32
    %eq3A_804 = vector.broadcast %eq3A_803 : i32 to vector<2048x1xi32>
    %eq3A_805 = arith.cmpi eq, %broadcast_in_dim3A_50, %eq3A_804 : vector<2048x1xi32>
    %broadcast_in_dim3A_806 = arith.constant 0 : i32
    %broadcast_in_dim3A_807 = vector.broadcast %broadcast_in_dim3A_806 : i32 to vector<2048x1xi32>
    %select_n3A_808 = arith.select %eq3A_805, %broadcast_in_dim3A_310, %broadcast_in_dim3A_807 : vector<2048x1xi1>, vector<2048x1xi32>
    %add3A_809 = arith.addi %add3A_802, %select_n3A_808 : vector<2048x1xi32>
    %eq3A_810 = arith.constant 5 : i32
    %eq3A_811 = vector.broadcast %eq3A_810 : i32 to vector<2048x1xi32>
    %eq3A_812 = arith.cmpi eq, %broadcast_in_dim3A_50, %eq3A_811 : vector<2048x1xi32>
    %broadcast_in_dim3A_813 = arith.constant 0 : i32
    %broadcast_in_dim3A_814 = vector.broadcast %broadcast_in_dim3A_813 : i32 to vector<2048x1xi32>
    %select_n3A_815 = arith.select %eq3A_812, %broadcast_in_dim3A_362, %broadcast_in_dim3A_814 : vector<2048x1xi1>, vector<2048x1xi32>
    %add3A_816 = arith.addi %add3A_809, %select_n3A_815 : vector<2048x1xi32>
    %eq3A_817 = arith.constant 6 : i32
    %eq3A_818 = vector.broadcast %eq3A_817 : i32 to vector<2048x1xi32>
    %eq3A_819 = arith.cmpi eq, %broadcast_in_dim3A_50, %eq3A_818 : vector<2048x1xi32>
    %broadcast_in_dim3A_820 = arith.constant 0 : i32
    %broadcast_in_dim3A_821 = vector.broadcast %broadcast_in_dim3A_820 : i32 to vector<2048x1xi32>
    %select_n3A_822 = arith.select %eq3A_819, %broadcast_in_dim3A_414, %broadcast_in_dim3A_821 : vector<2048x1xi1>, vector<2048x1xi32>
    %add3A_823 = arith.addi %add3A_816, %select_n3A_822 : vector<2048x1xi32>
    %eq3A_824 = arith.constant 7 : i32
    %eq3A_825 = vector.broadcast %eq3A_824 : i32 to vector<2048x1xi32>
    %eq3A_826 = arith.cmpi eq, %broadcast_in_dim3A_50, %eq3A_825 : vector<2048x1xi32>
    %broadcast_in_dim3A_827 = arith.constant 0 : i32
    %broadcast_in_dim3A_828 = vector.broadcast %broadcast_in_dim3A_827 : i32 to vector<2048x1xi32>
    %select_n3A_829 = arith.select %eq3A_826, %broadcast_in_dim3A_466, %broadcast_in_dim3A_828 : vector<2048x1xi1>, vector<2048x1xi32>
    %add3A_830 = arith.addi %add3A_823, %select_n3A_829 : vector<2048x1xi32>
    %broadcast_in_dim3A_831 = arith.constant 0.000000e+00 : f32
    %broadcast_in_dim3A_832 = vector.broadcast %broadcast_in_dim3A_831 : f32 to vector<2048x1xf32>
    %eq3A_833 = arith.constant 0 : i32
    %eq3A_834 = vector.broadcast %eq3A_833 : i32 to vector<2048x1xi32>
    %eq3A_835 = arith.cmpi eq, %broadcast_in_dim3A_50, %eq3A_834 : vector<2048x1xi32>
    %broadcast_in_dim3A_836 = arith.constant 0.000000e+00 : f32
    %broadcast_in_dim3A_837 = vector.broadcast %broadcast_in_dim3A_836 : f32 to vector<2048x1xf32>
    %select_n3A_838 = arith.select %eq3A_835, %div3A_107, %broadcast_in_dim3A_837 : vector<2048x1xi1>, vector<2048x1xf32>
    %add3A_839 = arith.addf %broadcast_in_dim3A_832, %select_n3A_838 : vector<2048x1xf32>
    %eq3A_840 = arith.constant 1 : i32
    %eq3A_841 = vector.broadcast %eq3A_840 : i32 to vector<2048x1xi32>
    %eq3A_842 = arith.cmpi eq, %broadcast_in_dim3A_50, %eq3A_841 : vector<2048x1xi32>
    %broadcast_in_dim3A_843 = arith.constant 0.000000e+00 : f32
    %broadcast_in_dim3A_844 = vector.broadcast %broadcast_in_dim3A_843 : f32 to vector<2048x1xf32>
    %select_n3A_845 = arith.select %eq3A_842, %div3A_159, %broadcast_in_dim3A_844 : vector<2048x1xi1>, vector<2048x1xf32>
    %add3A_846 = arith.addf %add3A_839, %select_n3A_845 : vector<2048x1xf32>
    %eq3A_847 = arith.constant 2 : i32
    %eq3A_848 = vector.broadcast %eq3A_847 : i32 to vector<2048x1xi32>
    %eq3A_849 = arith.cmpi eq, %broadcast_in_dim3A_50, %eq3A_848 : vector<2048x1xi32>
    %broadcast_in_dim3A_850 = arith.constant 0.000000e+00 : f32
    %broadcast_in_dim3A_851 = vector.broadcast %broadcast_in_dim3A_850 : f32 to vector<2048x1xf32>
    %select_n3A_852 = arith.select %eq3A_849, %div3A_211, %broadcast_in_dim3A_851 : vector<2048x1xi1>, vector<2048x1xf32>
    %add3A_853 = arith.addf %add3A_846, %select_n3A_852 : vector<2048x1xf32>
    %eq3A_854 = arith.constant 3 : i32
    %eq3A_855 = vector.broadcast %eq3A_854 : i32 to vector<2048x1xi32>
    %eq3A_856 = arith.cmpi eq, %broadcast_in_dim3A_50, %eq3A_855 : vector<2048x1xi32>
    %broadcast_in_dim3A_857 = arith.constant 0.000000e+00 : f32
    %broadcast_in_dim3A_858 = vector.broadcast %broadcast_in_dim3A_857 : f32 to vector<2048x1xf32>
    %select_n3A_859 = arith.select %eq3A_856, %div3A_263, %broadcast_in_dim3A_858 : vector<2048x1xi1>, vector<2048x1xf32>
    %add3A_860 = arith.addf %add3A_853, %select_n3A_859 : vector<2048x1xf32>
    %eq3A_861 = arith.constant 4 : i32
    %eq3A_862 = vector.broadcast %eq3A_861 : i32 to vector<2048x1xi32>
    %eq3A_863 = arith.cmpi eq, %broadcast_in_dim3A_50, %eq3A_862 : vector<2048x1xi32>
    %broadcast_in_dim3A_864 = arith.constant 0.000000e+00 : f32
    %broadcast_in_dim3A_865 = vector.broadcast %broadcast_in_dim3A_864 : f32 to vector<2048x1xf32>
    %select_n3A_866 = arith.select %eq3A_863, %div3A_315, %broadcast_in_dim3A_865 : vector<2048x1xi1>, vector<2048x1xf32>
    %add3A_867 = arith.addf %add3A_860, %select_n3A_866 : vector<2048x1xf32>
    %eq3A_868 = arith.constant 5 : i32
    %eq3A_869 = vector.broadcast %eq3A_868 : i32 to vector<2048x1xi32>
    %eq3A_870 = arith.cmpi eq, %broadcast_in_dim3A_50, %eq3A_869 : vector<2048x1xi32>
    %broadcast_in_dim3A_871 = arith.constant 0.000000e+00 : f32
    %broadcast_in_dim3A_872 = vector.broadcast %broadcast_in_dim3A_871 : f32 to vector<2048x1xf32>
    %select_n3A_873 = arith.select %eq3A_870, %div3A_367, %broadcast_in_dim3A_872 : vector<2048x1xi1>, vector<2048x1xf32>
    %add3A_874 = arith.addf %add3A_867, %select_n3A_873 : vector<2048x1xf32>
    %eq3A_875 = arith.constant 6 : i32
    %eq3A_876 = vector.broadcast %eq3A_875 : i32 to vector<2048x1xi32>
    %eq3A_877 = arith.cmpi eq, %broadcast_in_dim3A_50, %eq3A_876 : vector<2048x1xi32>
    %broadcast_in_dim3A_878 = arith.constant 0.000000e+00 : f32
    %broadcast_in_dim3A_879 = vector.broadcast %broadcast_in_dim3A_878 : f32 to vector<2048x1xf32>
    %select_n3A_880 = arith.select %eq3A_877, %div3A_419, %broadcast_in_dim3A_879 : vector<2048x1xi1>, vector<2048x1xf32>
    %add3A_881 = arith.addf %add3A_874, %select_n3A_880 : vector<2048x1xf32>
    %eq3A_882 = arith.constant 7 : i32
    %eq3A_883 = vector.broadcast %eq3A_882 : i32 to vector<2048x1xi32>
    %eq3A_884 = arith.cmpi eq, %broadcast_in_dim3A_50, %eq3A_883 : vector<2048x1xi32>
    %broadcast_in_dim3A_885 = arith.constant 0.000000e+00 : f32
    %broadcast_in_dim3A_886 = vector.broadcast %broadcast_in_dim3A_885 : f32 to vector<2048x1xf32>
    %select_n3A_887 = arith.select %eq3A_884, %div3A_471, %broadcast_in_dim3A_886 : vector<2048x1xi1>, vector<2048x1xf32>
    %add3A_888 = arith.addf %add3A_881, %select_n3A_887 : vector<2048x1xf32>
    %broadcast_in_dim3A_889 = arith.constant 0.000000e+00 : f32
    %broadcast_in_dim3A_890 = vector.broadcast %broadcast_in_dim3A_889 : f32 to vector<2048x1xf32>
    %eq3A_891 = arith.constant 0 : i32
    %eq3A_892 = vector.broadcast %eq3A_891 : i32 to vector<2048x1xi32>
    %eq3A_893 = arith.cmpi eq, %broadcast_in_dim3A_50, %eq3A_892 : vector<2048x1xi32>
    %broadcast_in_dim3A_894 = arith.constant 0.000000e+00 : f32
    %broadcast_in_dim3A_895 = vector.broadcast %broadcast_in_dim3A_894 : f32 to vector<2048x1xf32>
    %select_n3A_896 = arith.select %eq3A_893, %div3A_108, %broadcast_in_dim3A_895 : vector<2048x1xi1>, vector<2048x1xf32>
    %add3A_897 = arith.addf %broadcast_in_dim3A_890, %select_n3A_896 : vector<2048x1xf32>
    %eq3A_898 = arith.constant 1 : i32
    %eq3A_899 = vector.broadcast %eq3A_898 : i32 to vector<2048x1xi32>
    %eq3A_900 = arith.cmpi eq, %broadcast_in_dim3A_50, %eq3A_899 : vector<2048x1xi32>
    %broadcast_in_dim3A_901 = arith.constant 0.000000e+00 : f32
    %broadcast_in_dim3A_902 = vector.broadcast %broadcast_in_dim3A_901 : f32 to vector<2048x1xf32>
    %select_n3A_903 = arith.select %eq3A_900, %div3A_160, %broadcast_in_dim3A_902 : vector<2048x1xi1>, vector<2048x1xf32>
    %add3A_904 = arith.addf %add3A_897, %select_n3A_903 : vector<2048x1xf32>
    %eq3A_905 = arith.constant 2 : i32
    %eq3A_906 = vector.broadcast %eq3A_905 : i32 to vector<2048x1xi32>
    %eq3A_907 = arith.cmpi eq, %broadcast_in_dim3A_50, %eq3A_906 : vector<2048x1xi32>
    %broadcast_in_dim3A_908 = arith.constant 0.000000e+00 : f32
    %broadcast_in_dim3A_909 = vector.broadcast %broadcast_in_dim3A_908 : f32 to vector<2048x1xf32>
    %select_n3A_910 = arith.select %eq3A_907, %div3A_212, %broadcast_in_dim3A_909 : vector<2048x1xi1>, vector<2048x1xf32>
    %add3A_911 = arith.addf %add3A_904, %select_n3A_910 : vector<2048x1xf32>
    %eq3A_912 = arith.constant 3 : i32
    %eq3A_913 = vector.broadcast %eq3A_912 : i32 to vector<2048x1xi32>
    %eq3A_914 = arith.cmpi eq, %broadcast_in_dim3A_50, %eq3A_913 : vector<2048x1xi32>
    %broadcast_in_dim3A_915 = arith.constant 0.000000e+00 : f32
    %broadcast_in_dim3A_916 = vector.broadcast %broadcast_in_dim3A_915 : f32 to vector<2048x1xf32>
    %select_n3A_917 = arith.select %eq3A_914, %div3A_264, %broadcast_in_dim3A_916 : vector<2048x1xi1>, vector<2048x1xf32>
    %add3A_918 = arith.addf %add3A_911, %select_n3A_917 : vector<2048x1xf32>
    %eq3A_919 = arith.constant 4 : i32
    %eq3A_920 = vector.broadcast %eq3A_919 : i32 to vector<2048x1xi32>
    %eq3A_921 = arith.cmpi eq, %broadcast_in_dim3A_50, %eq3A_920 : vector<2048x1xi32>
    %broadcast_in_dim3A_922 = arith.constant 0.000000e+00 : f32
    %broadcast_in_dim3A_923 = vector.broadcast %broadcast_in_dim3A_922 : f32 to vector<2048x1xf32>
    %select_n3A_924 = arith.select %eq3A_921, %div3A_316, %broadcast_in_dim3A_923 : vector<2048x1xi1>, vector<2048x1xf32>
    %add3A_925 = arith.addf %add3A_918, %select_n3A_924 : vector<2048x1xf32>
    %eq3A_926 = arith.constant 5 : i32
    %eq3A_927 = vector.broadcast %eq3A_926 : i32 to vector<2048x1xi32>
    %eq3A_928 = arith.cmpi eq, %broadcast_in_dim3A_50, %eq3A_927 : vector<2048x1xi32>
    %broadcast_in_dim3A_929 = arith.constant 0.000000e+00 : f32
    %broadcast_in_dim3A_930 = vector.broadcast %broadcast_in_dim3A_929 : f32 to vector<2048x1xf32>
    %select_n3A_931 = arith.select %eq3A_928, %div3A_368, %broadcast_in_dim3A_930 : vector<2048x1xi1>, vector<2048x1xf32>
    %add3A_932 = arith.addf %add3A_925, %select_n3A_931 : vector<2048x1xf32>
    %eq3A_933 = arith.constant 6 : i32
    %eq3A_934 = vector.broadcast %eq3A_933 : i32 to vector<2048x1xi32>
    %eq3A_935 = arith.cmpi eq, %broadcast_in_dim3A_50, %eq3A_934 : vector<2048x1xi32>
    %broadcast_in_dim3A_936 = arith.constant 0.000000e+00 : f32
    %broadcast_in_dim3A_937 = vector.broadcast %broadcast_in_dim3A_936 : f32 to vector<2048x1xf32>
    %select_n3A_938 = arith.select %eq3A_935, %div3A_420, %broadcast_in_dim3A_937 : vector<2048x1xi1>, vector<2048x1xf32>
    %add3A_939 = arith.addf %add3A_932, %select_n3A_938 : vector<2048x1xf32>
    %eq3A_940 = arith.constant 7 : i32
    %eq3A_941 = vector.broadcast %eq3A_940 : i32 to vector<2048x1xi32>
    %eq3A_942 = arith.cmpi eq, %broadcast_in_dim3A_50, %eq3A_941 : vector<2048x1xi32>
    %broadcast_in_dim3A_943 = arith.constant 0.000000e+00 : f32
    %broadcast_in_dim3A_944 = vector.broadcast %broadcast_in_dim3A_943 : f32 to vector<2048x1xf32>
    %select_n3A_945 = arith.select %eq3A_942, %div3A_472, %broadcast_in_dim3A_944 : vector<2048x1xi1>, vector<2048x1xf32>
    %add3A_946 = arith.addf %add3A_939, %select_n3A_945 : vector<2048x1xf32>
    %mul3A_947 = arith.constant 8 : i32
    %mul3A_948 = vector.broadcast %mul3A_947 : i32 to vector<2048x1xi32>
    %mul3A_949 = arith.muli %broadcast_in_dim3A_50, %mul3A_948 : vector<2048x1xi32>
    %add3A_950 = arith.addi %mul3A_949, %add3A_772 : vector<2048x1xi32>
    %mul3A_951 = arith.constant 8 : i32
    %mul3A_952 = vector.broadcast %mul3A_951 : i32 to vector<2048x1xi32>
    %mul3A_953 = arith.muli %broadcast_in_dim3A_50, %mul3A_952 : vector<2048x1xi32>
    %add3A_954 = arith.addi %mul3A_953, %add3A_830 : vector<2048x1xi32>
    %mul3A_955 = arith.mulf %div3A_56, %add3A_888 : vector<2048x1xf32>
    %mul3A_956 = arith.mulf %div3A_56, %add3A_946 : vector<2048x1xf32>
    %concatenate3A = tpu.concatenate %mul3A_713, %mul3A_714, %mul3A_955, %mul3A_956 in 1 : vector<2048x1xf32>, vector<2048x1xf32>, vector<2048x1xf32>, vector<2048x1xf32> -> vector<2048x4xf32>
    %swap3A_957 = arith.constant 0 : index
    %swap3A_958 = arith.constant 0 : index
    %swap3A_959 = vector.load %arg6[%swap3A_957, %swap3A_958] : memref<2048x4xf32, #tpu.memory_space<vmem>>, vector<2048x4xf32>
    tpu.vector_store %arg6[%swap3A_957, %swap3A_958], %concatenate3A {strides = array<i32>} : memref<2048x4xf32, #tpu.memory_space<vmem>>, vector<2048x4xf32>,
    %iota3A_960 = tpu.iota {dimensions = array<i32: 1>} : vector<2048x64xi32>
    %broadcast_in_dim3A_961 = arith.constant 0.000000e+00 : f32
    %broadcast_in_dim3A_962 = vector.broadcast %broadcast_in_dim3A_961 : f32 to vector<1x64xf32>
    %eq3A_963 = vector.broadcast %add3A_708 : vector<2048x1xi32> to vector<2048x64xi32>
    %eq3A_964 = arith.cmpi eq, %eq3A_963, %iota3A_960 : vector<2048x64xi32>
    %convert_element_type3A = arith.extui %eq3A_964 : vector<2048x64xi1> to vector<2048x64xi32>
    %convert_element_type3A_965 = arith.sitofp %convert_element_type3A : vector<2048x64xi32> to vector<2048x64xf32>
    %iota3A_966 = tpu.iota {dimensions = array<i32: 1>} : vector<128x128xi32>
    %iota3A_967 = tpu.iota {dimensions = array<i32: 0>} : vector<128x128xi32>
    %le3A = arith.cmpi sle, %iota3A_966, %iota3A_967 : vector<128x128xi32>
    %convert_element_type3A_968 = arith.extui %le3A : vector<128x128xi1> to vector<128x128xi32>
    %convert_element_type3A_969 = arith.sitofp %convert_element_type3A_968 : vector<128x128xi32> to vector<128x128xf32>
    %broadcast_in_dim3A_970 = arith.constant 0.000000e+00 : f32
    %broadcast_in_dim3A_971 = vector.broadcast %broadcast_in_dim3A_970 : f32 to vector<1x64xf32>
    %slice3A = vector.extract_strided_slice %convert_element_type3A_965 {offsets = [0, 0], sizes = [128, 64], strides = [1, 1]} : vector<2048x64xf32> to vector<128x64xf32>
    %dot_general3A_972 = arith.constant dense<0.000000e+00> : vector<128x64xf32>
    %dot_general3A_973 = tpu.matmul %convert_element_type3A_969, %slice3A, %dot_general3A_972 {dimension_numbers = #tpu.dot_dimension_numbers<[1], [0], [0], [1], [0, 0, 1, 1], [], []>, transpose_lhs_hint = false} : vector<128x128xf32>, vector<128x64xf32>, vector<128x64xf32> -> vector<128x64xf32>
    %add3A_974 = vector.broadcast %broadcast_in_dim3A_971 : vector<1x64xf32> to vector<128x64xf32>
    %add3A_975 = arith.addf %dot_general3A_973, %add3A_974 : vector<128x64xf32>
    %slice3A_976 = vector.extract_strided_slice %add3A_975 {offsets = [127, 0], sizes = [1, 64], strides = [1, 1]} : vector<128x64xf32> to vector<1x64xf32>
    %slice3A_977 = vector.extract_strided_slice %convert_element_type3A_965 {offsets = [128, 0], sizes = [128, 64], strides = [1, 1]} : vector<2048x64xf32> to vector<128x64xf32>
    %dot_general3A_978 = arith.constant dense<0.000000e+00> : vector<128x64xf32>
    %dot_general3A_979 = tpu.matmul %convert_element_type3A_969, %slice3A_977, %dot_general3A_978 {dimension_numbers = #tpu.dot_dimension_numbers<[1], [0], [0], [1], [0, 0, 1, 1], [], []>, transpose_lhs_hint = false} : vector<128x128xf32>, vector<128x64xf32>, vector<128x64xf32> -> vector<128x64xf32>
    %add3A_980 = vector.broadcast %slice3A_976 : vector<1x64xf32> to vector<128x64xf32>
    %add3A_981 = arith.addf %dot_general3A_979, %add3A_980 : vector<128x64xf32>
    %slice3A_982 = vector.extract_strided_slice %add3A_981 {offsets = [127, 0], sizes = [1, 64], strides = [1, 1]} : vector<128x64xf32> to vector<1x64xf32>
    %slice3A_983 = vector.extract_strided_slice %convert_element_type3A_965 {offsets = [256, 0], sizes = [128, 64], strides = [1, 1]} : vector<2048x64xf32> to vector<128x64xf32>
    %dot_general3A_984 = arith.constant dense<0.000000e+00> : vector<128x64xf32>
    %dot_general3A_985 = tpu.matmul %convert_element_type3A_969, %slice3A_983, %dot_general3A_984 {dimension_numbers = #tpu.dot_dimension_numbers<[1], [0], [0], [1], [0, 0, 1, 1], [], []>, transpose_lhs_hint = false} : vector<128x128xf32>, vector<128x64xf32>, vector<128x64xf32> -> vector<128x64xf32>
    %add3A_986 = vector.broadcast %slice3A_982 : vector<1x64xf32> to vector<128x64xf32>
    %add3A_987 = arith.addf %dot_general3A_985, %add3A_986 : vector<128x64xf32>
    %slice3A_988 = vector.extract_strided_slice %add3A_987 {offsets = [127, 0], sizes = [1, 64], strides = [1, 1]} : vector<128x64xf32> to vector<1x64xf32>
    %slice3A_989 = vector.extract_strided_slice %convert_element_type3A_965 {offsets = [384, 0], sizes = [128, 64], strides = [1, 1]} : vector<2048x64xf32> to vector<128x64xf32>
    %dot_general3A_990 = arith.constant dense<0.000000e+00> : vector<128x64xf32>
    %dot_general3A_991 = tpu.matmul %convert_element_type3A_969, %slice3A_989, %dot_general3A_990 {dimension_numbers = #tpu.dot_dimension_numbers<[1], [0], [0], [1], [0, 0, 1, 1], [], []>, transpose_lhs_hint = false} : vector<128x128xf32>, vector<128x64xf32>, vector<128x64xf32> -> vector<128x64xf32>
    %add3A_992 = vector.broadcast %slice3A_988 : vector<1x64xf32> to vector<128x64xf32>
    %add3A_993 = arith.addf %dot_general3A_991, %add3A_992 : vector<128x64xf32>
    %slice3A_994 = vector.extract_strided_slice %add3A_993 {offsets = [127, 0], sizes = [1, 64], strides = [1, 1]} : vector<128x64xf32> to vector<1x64xf32>
    %slice3A_995 = vector.extract_strided_slice %convert_element_type3A_965 {offsets = [512, 0], sizes = [128, 64], strides = [1, 1]} : vector<2048x64xf32> to vector<128x64xf32>
    %dot_general3A_996 = arith.constant dense<0.000000e+00> : vector<128x64xf32>
    %dot_general3A_997 = tpu.matmul %convert_element_type3A_969, %slice3A_995, %dot_general3A_996 {dimension_numbers = #tpu.dot_dimension_numbers<[1], [0], [0], [1], [0, 0, 1, 1], [], []>, transpose_lhs_hint = false} : vector<128x128xf32>, vector<128x64xf32>, vector<128x64xf32> -> vector<128x64xf32>
    %add3A_998 = vector.broadcast %slice3A_994 : vector<1x64xf32> to vector<128x64xf32>
    %add3A_999 = arith.addf %dot_general3A_997, %add3A_998 : vector<128x64xf32>
    %slice3A_1000 = vector.extract_strided_slice %add3A_999 {offsets = [127, 0], sizes = [1, 64], strides = [1, 1]} : vector<128x64xf32> to vector<1x64xf32>
    %slice3A_1001 = vector.extract_strided_slice %convert_element_type3A_965 {offsets = [640, 0], sizes = [128, 64], strides = [1, 1]} : vector<2048x64xf32> to vector<128x64xf32>
    %dot_general3A_1002 = arith.constant dense<0.000000e+00> : vector<128x64xf32>
    %dot_general3A_1003 = tpu.matmul %convert_element_type3A_969, %slice3A_1001, %dot_general3A_1002 {dimension_numbers = #tpu.dot_dimension_numbers<[1], [0], [0], [1], [0, 0, 1, 1], [], []>, transpose_lhs_hint = false} : vector<128x128xf32>, vector<128x64xf32>, vector<128x64xf32> -> vector<128x64xf32>
    %add3A_1004 = vector.broadcast %slice3A_1000 : vector<1x64xf32> to vector<128x64xf32>
    %add3A_1005 = arith.addf %dot_general3A_1003, %add3A_1004 : vector<128x64xf32>
    %slice3A_1006 = vector.extract_strided_slice %add3A_1005 {offsets = [127, 0], sizes = [1, 64], strides = [1, 1]} : vector<128x64xf32> to vector<1x64xf32>
    %slice3A_1007 = vector.extract_strided_slice %convert_element_type3A_965 {offsets = [768, 0], sizes = [128, 64], strides = [1, 1]} : vector<2048x64xf32> to vector<128x64xf32>
    %dot_general3A_1008 = arith.constant dense<0.000000e+00> : vector<128x64xf32>
    %dot_general3A_1009 = tpu.matmul %convert_element_type3A_969, %slice3A_1007, %dot_general3A_1008 {dimension_numbers = #tpu.dot_dimension_numbers<[1], [0], [0], [1], [0, 0, 1, 1], [], []>, transpose_lhs_hint = false} : vector<128x128xf32>, vector<128x64xf32>, vector<128x64xf32> -> vector<128x64xf32>
    %add3A_1010 = vector.broadcast %slice3A_1006 : vector<1x64xf32> to vector<128x64xf32>
    %add3A_1011 = arith.addf %dot_general3A_1009, %add3A_1010 : vector<128x64xf32>
    %slice3A_1012 = vector.extract_strided_slice %add3A_1011 {offsets = [127, 0], sizes = [1, 64], strides = [1, 1]} : vector<128x64xf32> to vector<1x64xf32>
    %slice3A_1013 = vector.extract_strided_slice %convert_element_type3A_965 {offsets = [896, 0], sizes = [128, 64], strides = [1, 1]} : vector<2048x64xf32> to vector<128x64xf32>
    %dot_general3A_1014 = arith.constant dense<0.000000e+00> : vector<128x64xf32>
    %dot_general3A_1015 = tpu.matmul %convert_element_type3A_969, %slice3A_1013, %dot_general3A_1014 {dimension_numbers = #tpu.dot_dimension_numbers<[1], [0], [0], [1], [0, 0, 1, 1], [], []>, transpose_lhs_hint = false} : vector<128x128xf32>, vector<128x64xf32>, vector<128x64xf32> -> vector<128x64xf32>
    %add3A_1016 = vector.broadcast %slice3A_1012 : vector<1x64xf32> to vector<128x64xf32>
    %add3A_1017 = arith.addf %dot_general3A_1015, %add3A_1016 : vector<128x64xf32>
    %slice3A_1018 = vector.extract_strided_slice %add3A_1017 {offsets = [127, 0], sizes = [1, 64], strides = [1, 1]} : vector<128x64xf32> to vector<1x64xf32>
    %slice3A_1019 = vector.extract_strided_slice %convert_element_type3A_965 {offsets = [1024, 0], sizes = [128, 64], strides = [1, 1]} : vector<2048x64xf32> to vector<128x64xf32>
    %dot_general3A_1020 = arith.constant dense<0.000000e+00> : vector<128x64xf32>
    %dot_general3A_1021 = tpu.matmul %convert_element_type3A_969, %slice3A_1019, %dot_general3A_1020 {dimension_numbers = #tpu.dot_dimension_numbers<[1], [0], [0], [1], [0, 0, 1, 1], [], []>, transpose_lhs_hint = false} : vector<128x128xf32>, vector<128x64xf32>, vector<128x64xf32> -> vector<128x64xf32>
    %add3A_1022 = vector.broadcast %slice3A_1018 : vector<1x64xf32> to vector<128x64xf32>
    %add3A_1023 = arith.addf %dot_general3A_1021, %add3A_1022 : vector<128x64xf32>
    %slice3A_1024 = vector.extract_strided_slice %add3A_1023 {offsets = [127, 0], sizes = [1, 64], strides = [1, 1]} : vector<128x64xf32> to vector<1x64xf32>
    %slice3A_1025 = vector.extract_strided_slice %convert_element_type3A_965 {offsets = [1152, 0], sizes = [128, 64], strides = [1, 1]} : vector<2048x64xf32> to vector<128x64xf32>
    %dot_general3A_1026 = arith.constant dense<0.000000e+00> : vector<128x64xf32>
    %dot_general3A_1027 = tpu.matmul %convert_element_type3A_969, %slice3A_1025, %dot_general3A_1026 {dimension_numbers = #tpu.dot_dimension_numbers<[1], [0], [0], [1], [0, 0, 1, 1], [], []>, transpose_lhs_hint = false} : vector<128x128xf32>, vector<128x64xf32>, vector<128x64xf32> -> vector<128x64xf32>
    %add3A_1028 = vector.broadcast %slice3A_1024 : vector<1x64xf32> to vector<128x64xf32>
    %add3A_1029 = arith.addf %dot_general3A_1027, %add3A_1028 : vector<128x64xf32>
    %slice3A_1030 = vector.extract_strided_slice %add3A_1029 {offsets = [127, 0], sizes = [1, 64], strides = [1, 1]} : vector<128x64xf32> to vector<1x64xf32>
    %slice3A_1031 = vector.extract_strided_slice %convert_element_type3A_965 {offsets = [1280, 0], sizes = [128, 64], strides = [1, 1]} : vector<2048x64xf32> to vector<128x64xf32>
    %dot_general3A_1032 = arith.constant dense<0.000000e+00> : vector<128x64xf32>
    %dot_general3A_1033 = tpu.matmul %convert_element_type3A_969, %slice3A_1031, %dot_general3A_1032 {dimension_numbers = #tpu.dot_dimension_numbers<[1], [0], [0], [1], [0, 0, 1, 1], [], []>, transpose_lhs_hint = false} : vector<128x128xf32>, vector<128x64xf32>, vector<128x64xf32> -> vector<128x64xf32>
    %add3A_1034 = vector.broadcast %slice3A_1030 : vector<1x64xf32> to vector<128x64xf32>
    %add3A_1035 = arith.addf %dot_general3A_1033, %add3A_1034 : vector<128x64xf32>
    %slice3A_1036 = vector.extract_strided_slice %add3A_1035 {offsets = [127, 0], sizes = [1, 64], strides = [1, 1]} : vector<128x64xf32> to vector<1x64xf32>
    %slice3A_1037 = vector.extract_strided_slice %convert_element_type3A_965 {offsets = [1408, 0], sizes = [128, 64], strides = [1, 1]} : vector<2048x64xf32> to vector<128x64xf32>
    %dot_general3A_1038 = arith.constant dense<0.000000e+00> : vector<128x64xf32>
    %dot_general3A_1039 = tpu.matmul %convert_element_type3A_969, %slice3A_1037, %dot_general3A_1038 {dimension_numbers = #tpu.dot_dimension_numbers<[1], [0], [0], [1], [0, 0, 1, 1], [], []>, transpose_lhs_hint = false} : vector<128x128xf32>, vector<128x64xf32>, vector<128x64xf32> -> vector<128x64xf32>
    %add3A_1040 = vector.broadcast %slice3A_1036 : vector<1x64xf32> to vector<128x64xf32>
    %add3A_1041 = arith.addf %dot_general3A_1039, %add3A_1040 : vector<128x64xf32>
    %slice3A_1042 = vector.extract_strided_slice %add3A_1041 {offsets = [127, 0], sizes = [1, 64], strides = [1, 1]} : vector<128x64xf32> to vector<1x64xf32>
    %slice3A_1043 = vector.extract_strided_slice %convert_element_type3A_965 {offsets = [1536, 0], sizes = [128, 64], strides = [1, 1]} : vector<2048x64xf32> to vector<128x64xf32>
    %dot_general3A_1044 = arith.constant dense<0.000000e+00> : vector<128x64xf32>
    %dot_general3A_1045 = tpu.matmul %convert_element_type3A_969, %slice3A_1043, %dot_general3A_1044 {dimension_numbers = #tpu.dot_dimension_numbers<[1], [0], [0], [1], [0, 0, 1, 1], [], []>, transpose_lhs_hint = false} : vector<128x128xf32>, vector<128x64xf32>, vector<128x64xf32> -> vector<128x64xf32>
    %add3A_1046 = vector.broadcast %slice3A_1042 : vector<1x64xf32> to vector<128x64xf32>
    %add3A_1047 = arith.addf %dot_general3A_1045, %add3A_1046 : vector<128x64xf32>
    %slice3A_1048 = vector.extract_strided_slice %add3A_1047 {offsets = [127, 0], sizes = [1, 64], strides = [1, 1]} : vector<128x64xf32> to vector<1x64xf32>
    %slice3A_1049 = vector.extract_strided_slice %convert_element_type3A_965 {offsets = [1664, 0], sizes = [128, 64], strides = [1, 1]} : vector<2048x64xf32> to vector<128x64xf32>
    %dot_general3A_1050 = arith.constant dense<0.000000e+00> : vector<128x64xf32>
    %dot_general3A_1051 = tpu.matmul %convert_element_type3A_969, %slice3A_1049, %dot_general3A_1050 {dimension_numbers = #tpu.dot_dimension_numbers<[1], [0], [0], [1], [0, 0, 1, 1], [], []>, transpose_lhs_hint = false} : vector<128x128xf32>, vector<128x64xf32>, vector<128x64xf32> -> vector<128x64xf32>
    %add3A_1052 = vector.broadcast %slice3A_1048 : vector<1x64xf32> to vector<128x64xf32>
    %add3A_1053 = arith.addf %dot_general3A_1051, %add3A_1052 : vector<128x64xf32>
    %slice3A_1054 = vector.extract_strided_slice %add3A_1053 {offsets = [127, 0], sizes = [1, 64], strides = [1, 1]} : vector<128x64xf32> to vector<1x64xf32>
    %slice3A_1055 = vector.extract_strided_slice %convert_element_type3A_965 {offsets = [1792, 0], sizes = [128, 64], strides = [1, 1]} : vector<2048x64xf32> to vector<128x64xf32>
    %dot_general3A_1056 = arith.constant dense<0.000000e+00> : vector<128x64xf32>
    %dot_general3A_1057 = tpu.matmul %convert_element_type3A_969, %slice3A_1055, %dot_general3A_1056 {dimension_numbers = #tpu.dot_dimension_numbers<[1], [0], [0], [1], [0, 0, 1, 1], [], []>, transpose_lhs_hint = false} : vector<128x128xf32>, vector<128x64xf32>, vector<128x64xf32> -> vector<128x64xf32>
    %add3A_1058 = vector.broadcast %slice3A_1054 : vector<1x64xf32> to vector<128x64xf32>
    %add3A_1059 = arith.addf %dot_general3A_1057, %add3A_1058 : vector<128x64xf32>
    %slice3A_1060 = vector.extract_strided_slice %add3A_1059 {offsets = [127, 0], sizes = [1, 64], strides = [1, 1]} : vector<128x64xf32> to vector<1x64xf32>
    %slice3A_1061 = vector.extract_strided_slice %convert_element_type3A_965 {offsets = [1920, 0], sizes = [128, 64], strides = [1, 1]} : vector<2048x64xf32> to vector<128x64xf32>
    %dot_general3A_1062 = arith.constant dense<0.000000e+00> : vector<128x64xf32>
    %dot_general3A_1063 = tpu.matmul %convert_element_type3A_969, %slice3A_1061, %dot_general3A_1062 {dimension_numbers = #tpu.dot_dimension_numbers<[1], [0], [0], [1], [0, 0, 1, 1], [], []>, transpose_lhs_hint = false} : vector<128x128xf32>, vector<128x64xf32>, vector<128x64xf32> -> vector<128x64xf32>
    %add3A_1064 = vector.broadcast %slice3A_1060 : vector<1x64xf32> to vector<128x64xf32>
    %add3A_1065 = arith.addf %dot_general3A_1063, %add3A_1064 : vector<128x64xf32>
    %concatenate3A_1066 = tpu.concatenate %add3A_975, %add3A_981, %add3A_987, %add3A_993, %add3A_999, %add3A_1005, %add3A_1011, %add3A_1017, %add3A_1023, %add3A_1029, %add3A_1035, %add3A_1041, %add3A_1047, %add3A_1053, %add3A_1059, %add3A_1065 in 0 : vector<128x64xf32>, vector<128x64xf32>, vector<128x64xf32>, vector<128x64xf32>, vector<128x64xf32>, vector<128x64xf32>, vector<128x64xf32>, vector<128x64xf32>, vector<128x64xf32>, vector<128x64xf32>, vector<128x64xf32>, vector<128x64xf32>, vector<128x64xf32>, vector<128x64xf32>, vector<128x64xf32>, vector<128x64xf32> -> vector<2048x64xf32>
    %sub3A_1067 = arith.subf %concatenate3A_1066, %convert_element_type3A_965 : vector<2048x64xf32>
    %add3A_1068 = vector.broadcast %broadcast_in_dim3A_962 : vector<1x64xf32> to vector<2048x64xf32>
    %add3A_1069 = arith.addf %sub3A_1067, %add3A_1068 : vector<2048x64xf32>
    %slice3A_1070 = vector.extract_strided_slice %concatenate3A_1066 {offsets = [2047, 0], sizes = [1, 64], strides = [1, 1]} : vector<2048x64xf32> to vector<1x64xf32>
    %add3A_1071 = arith.addf %broadcast_in_dim3A_962, %slice3A_1070 : vector<1x64xf32>
    %eq3A_1072 = vector.broadcast %add3A_712 : vector<2048x1xi32> to vector<2048x64xi32>
    %eq3A_1073 = arith.cmpi eq, %eq3A_1072, %iota3A_960 : vector<2048x64xi32>
    %convert_element_type3A_1074 = arith.extui %eq3A_1073 : vector<2048x64xi1> to vector<2048x64xi32>
    %convert_element_type3A_1075 = arith.sitofp %convert_element_type3A_1074 : vector<2048x64xi32> to vector<2048x64xf32>
    %iota3A_1076 = tpu.iota {dimensions = array<i32: 1>} : vector<128x128xi32>
    %iota3A_1077 = tpu.iota {dimensions = array<i32: 0>} : vector<128x128xi32>
    %le3A_1078 = arith.cmpi sle, %iota3A_1076, %iota3A_1077 : vector<128x128xi32>
    %convert_element_type3A_1079 = arith.extui %le3A_1078 : vector<128x128xi1> to vector<128x128xi32>
    %convert_element_type3A_1080 = arith.sitofp %convert_element_type3A_1079 : vector<128x128xi32> to vector<128x128xf32>
    %broadcast_in_dim3A_1081 = arith.constant 0.000000e+00 : f32
    %broadcast_in_dim3A_1082 = vector.broadcast %broadcast_in_dim3A_1081 : f32 to vector<1x64xf32>
    %slice3A_1083 = vector.extract_strided_slice %convert_element_type3A_1075 {offsets = [0, 0], sizes = [128, 64], strides = [1, 1]} : vector<2048x64xf32> to vector<128x64xf32>
    %dot_general3A_1084 = arith.constant dense<0.000000e+00> : vector<128x64xf32>
    %dot_general3A_1085 = tpu.matmul %convert_element_type3A_1080, %slice3A_1083, %dot_general3A_1084 {dimension_numbers = #tpu.dot_dimension_numbers<[1], [0], [0], [1], [0, 0, 1, 1], [], []>, transpose_lhs_hint = false} : vector<128x128xf32>, vector<128x64xf32>, vector<128x64xf32> -> vector<128x64xf32>
    %add3A_1086 = vector.broadcast %broadcast_in_dim3A_1082 : vector<1x64xf32> to vector<128x64xf32>
    %add3A_1087 = arith.addf %dot_general3A_1085, %add3A_1086 : vector<128x64xf32>
    %slice3A_1088 = vector.extract_strided_slice %add3A_1087 {offsets = [127, 0], sizes = [1, 64], strides = [1, 1]} : vector<128x64xf32> to vector<1x64xf32>
    %slice3A_1089 = vector.extract_strided_slice %convert_element_type3A_1075 {offsets = [128, 0], sizes = [128, 64], strides = [1, 1]} : vector<2048x64xf32> to vector<128x64xf32>
    %dot_general3A_1090 = arith.constant dense<0.000000e+00> : vector<128x64xf32>
    %dot_general3A_1091 = tpu.matmul %convert_element_type3A_1080, %slice3A_1089, %dot_general3A_1090 {dimension_numbers = #tpu.dot_dimension_numbers<[1], [0], [0], [1], [0, 0, 1, 1], [], []>, transpose_lhs_hint = false} : vector<128x128xf32>, vector<128x64xf32>, vector<128x64xf32> -> vector<128x64xf32>
    %add3A_1092 = vector.broadcast %slice3A_1088 : vector<1x64xf32> to vector<128x64xf32>
    %add3A_1093 = arith.addf %dot_general3A_1091, %add3A_1092 : vector<128x64xf32>
    %slice3A_1094 = vector.extract_strided_slice %add3A_1093 {offsets = [127, 0], sizes = [1, 64], strides = [1, 1]} : vector<128x64xf32> to vector<1x64xf32>
    %slice3A_1095 = vector.extract_strided_slice %convert_element_type3A_1075 {offsets = [256, 0], sizes = [128, 64], strides = [1, 1]} : vector<2048x64xf32> to vector<128x64xf32>
    %dot_general3A_1096 = arith.constant dense<0.000000e+00> : vector<128x64xf32>
    %dot_general3A_1097 = tpu.matmul %convert_element_type3A_1080, %slice3A_1095, %dot_general3A_1096 {dimension_numbers = #tpu.dot_dimension_numbers<[1], [0], [0], [1], [0, 0, 1, 1], [], []>, transpose_lhs_hint = false} : vector<128x128xf32>, vector<128x64xf32>, vector<128x64xf32> -> vector<128x64xf32>
    %add3A_1098 = vector.broadcast %slice3A_1094 : vector<1x64xf32> to vector<128x64xf32>
    %add3A_1099 = arith.addf %dot_general3A_1097, %add3A_1098 : vector<128x64xf32>
    %slice3A_1100 = vector.extract_strided_slice %add3A_1099 {offsets = [127, 0], sizes = [1, 64], strides = [1, 1]} : vector<128x64xf32> to vector<1x64xf32>
    %slice3A_1101 = vector.extract_strided_slice %convert_element_type3A_1075 {offsets = [384, 0], sizes = [128, 64], strides = [1, 1]} : vector<2048x64xf32> to vector<128x64xf32>
    %dot_general3A_1102 = arith.constant dense<0.000000e+00> : vector<128x64xf32>
    %dot_general3A_1103 = tpu.matmul %convert_element_type3A_1080, %slice3A_1101, %dot_general3A_1102 {dimension_numbers = #tpu.dot_dimension_numbers<[1], [0], [0], [1], [0, 0, 1, 1], [], []>, transpose_lhs_hint = false} : vector<128x128xf32>, vector<128x64xf32>, vector<128x64xf32> -> vector<128x64xf32>
    %add3A_1104 = vector.broadcast %slice3A_1100 : vector<1x64xf32> to vector<128x64xf32>
    %add3A_1105 = arith.addf %dot_general3A_1103, %add3A_1104 : vector<128x64xf32>
    %slice3A_1106 = vector.extract_strided_slice %add3A_1105 {offsets = [127, 0], sizes = [1, 64], strides = [1, 1]} : vector<128x64xf32> to vector<1x64xf32>
    %slice3A_1107 = vector.extract_strided_slice %convert_element_type3A_1075 {offsets = [512, 0], sizes = [128, 64], strides = [1, 1]} : vector<2048x64xf32> to vector<128x64xf32>
    %dot_general3A_1108 = arith.constant dense<0.000000e+00> : vector<128x64xf32>
    %dot_general3A_1109 = tpu.matmul %convert_element_type3A_1080, %slice3A_1107, %dot_general3A_1108 {dimension_numbers = #tpu.dot_dimension_numbers<[1], [0], [0], [1], [0, 0, 1, 1], [], []>, transpose_lhs_hint = false} : vector<128x128xf32>, vector<128x64xf32>, vector<128x64xf32> -> vector<128x64xf32>
    %add3A_1110 = vector.broadcast %slice3A_1106 : vector<1x64xf32> to vector<128x64xf32>
    %add3A_1111 = arith.addf %dot_general3A_1109, %add3A_1110 : vector<128x64xf32>
    %slice3A_1112 = vector.extract_strided_slice %add3A_1111 {offsets = [127, 0], sizes = [1, 64], strides = [1, 1]} : vector<128x64xf32> to vector<1x64xf32>
    %slice3A_1113 = vector.extract_strided_slice %convert_element_type3A_1075 {offsets = [640, 0], sizes = [128, 64], strides = [1, 1]} : vector<2048x64xf32> to vector<128x64xf32>
    %dot_general3A_1114 = arith.constant dense<0.000000e+00> : vector<128x64xf32>
    %dot_general3A_1115 = tpu.matmul %convert_element_type3A_1080, %slice3A_1113, %dot_general3A_1114 {dimension_numbers = #tpu.dot_dimension_numbers<[1], [0], [0], [1], [0, 0, 1, 1], [], []>, transpose_lhs_hint = false} : vector<128x128xf32>, vector<128x64xf32>, vector<128x64xf32> -> vector<128x64xf32>
    %add3A_1116 = vector.broadcast %slice3A_1112 : vector<1x64xf32> to vector<128x64xf32>
    %add3A_1117 = arith.addf %dot_general3A_1115, %add3A_1116 : vector<128x64xf32>
    %slice3A_1118 = vector.extract_strided_slice %add3A_1117 {offsets = [127, 0], sizes = [1, 64], strides = [1, 1]} : vector<128x64xf32> to vector<1x64xf32>
    %slice3A_1119 = vector.extract_strided_slice %convert_element_type3A_1075 {offsets = [768, 0], sizes = [128, 64], strides = [1, 1]} : vector<2048x64xf32> to vector<128x64xf32>
    %dot_general3A_1120 = arith.constant dense<0.000000e+00> : vector<128x64xf32>
    %dot_general3A_1121 = tpu.matmul %convert_element_type3A_1080, %slice3A_1119, %dot_general3A_1120 {dimension_numbers = #tpu.dot_dimension_numbers<[1], [0], [0], [1], [0, 0, 1, 1], [], []>, transpose_lhs_hint = false} : vector<128x128xf32>, vector<128x64xf32>, vector<128x64xf32> -> vector<128x64xf32>
    %add3A_1122 = vector.broadcast %slice3A_1118 : vector<1x64xf32> to vector<128x64xf32>
    %add3A_1123 = arith.addf %dot_general3A_1121, %add3A_1122 : vector<128x64xf32>
    %slice3A_1124 = vector.extract_strided_slice %add3A_1123 {offsets = [127, 0], sizes = [1, 64], strides = [1, 1]} : vector<128x64xf32> to vector<1x64xf32>
    %slice3A_1125 = vector.extract_strided_slice %convert_element_type3A_1075 {offsets = [896, 0], sizes = [128, 64], strides = [1, 1]} : vector<2048x64xf32> to vector<128x64xf32>
    %dot_general3A_1126 = arith.constant dense<0.000000e+00> : vector<128x64xf32>
    %dot_general3A_1127 = tpu.matmul %convert_element_type3A_1080, %slice3A_1125, %dot_general3A_1126 {dimension_numbers = #tpu.dot_dimension_numbers<[1], [0], [0], [1], [0, 0, 1, 1], [], []>, transpose_lhs_hint = false} : vector<128x128xf32>, vector<128x64xf32>, vector<128x64xf32> -> vector<128x64xf32>
    %add3A_1128 = vector.broadcast %slice3A_1124 : vector<1x64xf32> to vector<128x64xf32>
    %add3A_1129 = arith.addf %dot_general3A_1127, %add3A_1128 : vector<128x64xf32>
    %slice3A_1130 = vector.extract_strided_slice %add3A_1129 {offsets = [127, 0], sizes = [1, 64], strides = [1, 1]} : vector<128x64xf32> to vector<1x64xf32>
    %slice3A_1131 = vector.extract_strided_slice %convert_element_type3A_1075 {offsets = [1024, 0], sizes = [128, 64], strides = [1, 1]} : vector<2048x64xf32> to vector<128x64xf32>
    %dot_general3A_1132 = arith.constant dense<0.000000e+00> : vector<128x64xf32>
    %dot_general3A_1133 = tpu.matmul %convert_element_type3A_1080, %slice3A_1131, %dot_general3A_1132 {dimension_numbers = #tpu.dot_dimension_numbers<[1], [0], [0], [1], [0, 0, 1, 1], [], []>, transpose_lhs_hint = false} : vector<128x128xf32>, vector<128x64xf32>, vector<128x64xf32> -> vector<128x64xf32>
    %add3A_1134 = vector.broadcast %slice3A_1130 : vector<1x64xf32> to vector<128x64xf32>
    %add3A_1135 = arith.addf %dot_general3A_1133, %add3A_1134 : vector<128x64xf32>
    %slice3A_1136 = vector.extract_strided_slice %add3A_1135 {offsets = [127, 0], sizes = [1, 64], strides = [1, 1]} : vector<128x64xf32> to vector<1x64xf32>
    %slice3A_1137 = vector.extract_strided_slice %convert_element_type3A_1075 {offsets = [1152, 0], sizes = [128, 64], strides = [1, 1]} : vector<2048x64xf32> to vector<128x64xf32>
    %dot_general3A_1138 = arith.constant dense<0.000000e+00> : vector<128x64xf32>
    %dot_general3A_1139 = tpu.matmul %convert_element_type3A_1080, %slice3A_1137, %dot_general3A_1138 {dimension_numbers = #tpu.dot_dimension_numbers<[1], [0], [0], [1], [0, 0, 1, 1], [], []>, transpose_lhs_hint = false} : vector<128x128xf32>, vector<128x64xf32>, vector<128x64xf32> -> vector<128x64xf32>
    %add3A_1140 = vector.broadcast %slice3A_1136 : vector<1x64xf32> to vector<128x64xf32>
    %add3A_1141 = arith.addf %dot_general3A_1139, %add3A_1140 : vector<128x64xf32>
    %slice3A_1142 = vector.extract_strided_slice %add3A_1141 {offsets = [127, 0], sizes = [1, 64], strides = [1, 1]} : vector<128x64xf32> to vector<1x64xf32>
    %slice3A_1143 = vector.extract_strided_slice %convert_element_type3A_1075 {offsets = [1280, 0], sizes = [128, 64], strides = [1, 1]} : vector<2048x64xf32> to vector<128x64xf32>
    %dot_general3A_1144 = arith.constant dense<0.000000e+00> : vector<128x64xf32>
    %dot_general3A_1145 = tpu.matmul %convert_element_type3A_1080, %slice3A_1143, %dot_general3A_1144 {dimension_numbers = #tpu.dot_dimension_numbers<[1], [0], [0], [1], [0, 0, 1, 1], [], []>, transpose_lhs_hint = false} : vector<128x128xf32>, vector<128x64xf32>, vector<128x64xf32> -> vector<128x64xf32>
    %add3A_1146 = vector.broadcast %slice3A_1142 : vector<1x64xf32> to vector<128x64xf32>
    %add3A_1147 = arith.addf %dot_general3A_1145, %add3A_1146 : vector<128x64xf32>
    %slice3A_1148 = vector.extract_strided_slice %add3A_1147 {offsets = [127, 0], sizes = [1, 64], strides = [1, 1]} : vector<128x64xf32> to vector<1x64xf32>
    %slice3A_1149 = vector.extract_strided_slice %convert_element_type3A_1075 {offsets = [1408, 0], sizes = [128, 64], strides = [1, 1]} : vector<2048x64xf32> to vector<128x64xf32>
    %dot_general3A_1150 = arith.constant dense<0.000000e+00> : vector<128x64xf32>
    %dot_general3A_1151 = tpu.matmul %convert_element_type3A_1080, %slice3A_1149, %dot_general3A_1150 {dimension_numbers = #tpu.dot_dimension_numbers<[1], [0], [0], [1], [0, 0, 1, 1], [], []>, transpose_lhs_hint = false} : vector<128x128xf32>, vector<128x64xf32>, vector<128x64xf32> -> vector<128x64xf32>
    %add3A_1152 = vector.broadcast %slice3A_1148 : vector<1x64xf32> to vector<128x64xf32>
    %add3A_1153 = arith.addf %dot_general3A_1151, %add3A_1152 : vector<128x64xf32>
    %slice3A_1154 = vector.extract_strided_slice %add3A_1153 {offsets = [127, 0], sizes = [1, 64], strides = [1, 1]} : vector<128x64xf32> to vector<1x64xf32>
    %slice3A_1155 = vector.extract_strided_slice %convert_element_type3A_1075 {offsets = [1536, 0], sizes = [128, 64], strides = [1, 1]} : vector<2048x64xf32> to vector<128x64xf32>
    %dot_general3A_1156 = arith.constant dense<0.000000e+00> : vector<128x64xf32>
    %dot_general3A_1157 = tpu.matmul %convert_element_type3A_1080, %slice3A_1155, %dot_general3A_1156 {dimension_numbers = #tpu.dot_dimension_numbers<[1], [0], [0], [1], [0, 0, 1, 1], [], []>, transpose_lhs_hint = false} : vector<128x128xf32>, vector<128x64xf32>, vector<128x64xf32> -> vector<128x64xf32>
    %add3A_1158 = vector.broadcast %slice3A_1154 : vector<1x64xf32> to vector<128x64xf32>
    %add3A_1159 = arith.addf %dot_general3A_1157, %add3A_1158 : vector<128x64xf32>
    %slice3A_1160 = vector.extract_strided_slice %add3A_1159 {offsets = [127, 0], sizes = [1, 64], strides = [1, 1]} : vector<128x64xf32> to vector<1x64xf32>
    %slice3A_1161 = vector.extract_strided_slice %convert_element_type3A_1075 {offsets = [1664, 0], sizes = [128, 64], strides = [1, 1]} : vector<2048x64xf32> to vector<128x64xf32>
    %dot_general3A_1162 = arith.constant dense<0.000000e+00> : vector<128x64xf32>
    %dot_general3A_1163 = tpu.matmul %convert_element_type3A_1080, %slice3A_1161, %dot_general3A_1162 {dimension_numbers = #tpu.dot_dimension_numbers<[1], [0], [0], [1], [0, 0, 1, 1], [], []>, transpose_lhs_hint = false} : vector<128x128xf32>, vector<128x64xf32>, vector<128x64xf32> -> vector<128x64xf32>
    %add3A_1164 = vector.broadcast %slice3A_1160 : vector<1x64xf32> to vector<128x64xf32>
    %add3A_1165 = arith.addf %dot_general3A_1163, %add3A_1164 : vector<128x64xf32>
    %slice3A_1166 = vector.extract_strided_slice %add3A_1165 {offsets = [127, 0], sizes = [1, 64], strides = [1, 1]} : vector<128x64xf32> to vector<1x64xf32>
    %slice3A_1167 = vector.extract_strided_slice %convert_element_type3A_1075 {offsets = [1792, 0], sizes = [128, 64], strides = [1, 1]} : vector<2048x64xf32> to vector<128x64xf32>
    %dot_general3A_1168 = arith.constant dense<0.000000e+00> : vector<128x64xf32>
    %dot_general3A_1169 = tpu.matmul %convert_element_type3A_1080, %slice3A_1167, %dot_general3A_1168 {dimension_numbers = #tpu.dot_dimension_numbers<[1], [0], [0], [1], [0, 0, 1, 1], [], []>, transpose_lhs_hint = false} : vector<128x128xf32>, vector<128x64xf32>, vector<128x64xf32> -> vector<128x64xf32>
    %add3A_1170 = vector.broadcast %slice3A_1166 : vector<1x64xf32> to vector<128x64xf32>
    %add3A_1171 = arith.addf %dot_general3A_1169, %add3A_1170 : vector<128x64xf32>
    %slice3A_1172 = vector.extract_strided_slice %add3A_1171 {offsets = [127, 0], sizes = [1, 64], strides = [1, 1]} : vector<128x64xf32> to vector<1x64xf32>
    %slice3A_1173 = vector.extract_strided_slice %convert_element_type3A_1075 {offsets = [1920, 0], sizes = [128, 64], strides = [1, 1]} : vector<2048x64xf32> to vector<128x64xf32>
    %dot_general3A_1174 = arith.constant dense<0.000000e+00> : vector<128x64xf32>
    %dot_general3A_1175 = tpu.matmul %convert_element_type3A_1080, %slice3A_1173, %dot_general3A_1174 {dimension_numbers = #tpu.dot_dimension_numbers<[1], [0], [0], [1], [0, 0, 1, 1], [], []>, transpose_lhs_hint = false} : vector<128x128xf32>, vector<128x64xf32>, vector<128x64xf32> -> vector<128x64xf32>
    %add3A_1176 = vector.broadcast %slice3A_1172 : vector<1x64xf32> to vector<128x64xf32>
    %add3A_1177 = arith.addf %dot_general3A_1175, %add3A_1176 : vector<128x64xf32>
    %concatenate3A_1178 = tpu.concatenate %add3A_1087, %add3A_1093, %add3A_1099, %add3A_1105, %add3A_1111, %add3A_1117, %add3A_1123, %add3A_1129, %add3A_1135, %add3A_1141, %add3A_1147, %add3A_1153, %add3A_1159, %add3A_1165, %add3A_1171, %add3A_1177 in 0 : vector<128x64xf32>, vector<128x64xf32>, vector<128x64xf32>, vector<128x64xf32>, vector<128x64xf32>, vector<128x64xf32>, vector<128x64xf32>, vector<128x64xf32>, vector<128x64xf32>, vector<128x64xf32>, vector<128x64xf32>, vector<128x64xf32>, vector<128x64xf32>, vector<128x64xf32>, vector<128x64xf32>, vector<128x64xf32> -> vector<2048x64xf32>
    %sub3A_1179 = arith.subf %concatenate3A_1178, %convert_element_type3A_1075 : vector<2048x64xf32>
    %add3A_1180 = vector.broadcast %add3A_1071 : vector<1x64xf32> to vector<2048x64xf32>
    %add3A_1181 = arith.addf %sub3A_1179, %add3A_1180 : vector<2048x64xf32>
    %slice3A_1182 = vector.extract_strided_slice %concatenate3A_1178 {offsets = [2047, 0], sizes = [1, 64], strides = [1, 1]} : vector<2048x64xf32> to vector<1x64xf32>
    %add3A_1183 = arith.addf %add3A_1071, %slice3A_1182 : vector<1x64xf32>
    %eq3A_1184 = vector.broadcast %add3A_950 : vector<2048x1xi32> to vector<2048x64xi32>
    %eq3A_1185 = arith.cmpi eq, %eq3A_1184, %iota3A_960 : vector<2048x64xi32>
    %convert_element_type3A_1186 = arith.extui %eq3A_1185 : vector<2048x64xi1> to vector<2048x64xi32>
    %convert_element_type3A_1187 = arith.sitofp %convert_element_type3A_1186 : vector<2048x64xi32> to vector<2048x64xf32>
    %iota3A_1188 = tpu.iota {dimensions = array<i32: 1>} : vector<128x128xi32>
    %iota3A_1189 = tpu.iota {dimensions = array<i32: 0>} : vector<128x128xi32>
    %le3A_1190 = arith.cmpi sle, %iota3A_1188, %iota3A_1189 : vector<128x128xi32>
    %convert_element_type3A_1191 = arith.extui %le3A_1190 : vector<128x128xi1> to vector<128x128xi32>
    %convert_element_type3A_1192 = arith.sitofp %convert_element_type3A_1191 : vector<128x128xi32> to vector<128x128xf32>
    %broadcast_in_dim3A_1193 = arith.constant 0.000000e+00 : f32
    %broadcast_in_dim3A_1194 = vector.broadcast %broadcast_in_dim3A_1193 : f32 to vector<1x64xf32>
    %slice3A_1195 = vector.extract_strided_slice %convert_element_type3A_1187 {offsets = [0, 0], sizes = [128, 64], strides = [1, 1]} : vector<2048x64xf32> to vector<128x64xf32>
    %dot_general3A_1196 = arith.constant dense<0.000000e+00> : vector<128x64xf32>
    %dot_general3A_1197 = tpu.matmul %convert_element_type3A_1192, %slice3A_1195, %dot_general3A_1196 {dimension_numbers = #tpu.dot_dimension_numbers<[1], [0], [0], [1], [0, 0, 1, 1], [], []>, transpose_lhs_hint = false} : vector<128x128xf32>, vector<128x64xf32>, vector<128x64xf32> -> vector<128x64xf32>
    %add3A_1198 = vector.broadcast %broadcast_in_dim3A_1194 : vector<1x64xf32> to vector<128x64xf32>
    %add3A_1199 = arith.addf %dot_general3A_1197, %add3A_1198 : vector<128x64xf32>
    %slice3A_1200 = vector.extract_strided_slice %add3A_1199 {offsets = [127, 0], sizes = [1, 64], strides = [1, 1]} : vector<128x64xf32> to vector<1x64xf32>
    %slice3A_1201 = vector.extract_strided_slice %convert_element_type3A_1187 {offsets = [128, 0], sizes = [128, 64], strides = [1, 1]} : vector<2048x64xf32> to vector<128x64xf32>
    %dot_general3A_1202 = arith.constant dense<0.000000e+00> : vector<128x64xf32>
    %dot_general3A_1203 = tpu.matmul %convert_element_type3A_1192, %slice3A_1201, %dot_general3A_1202 {dimension_numbers = #tpu.dot_dimension_numbers<[1], [0], [0], [1], [0, 0, 1, 1], [], []>, transpose_lhs_hint = false} : vector<128x128xf32>, vector<128x64xf32>, vector<128x64xf32> -> vector<128x64xf32>
    %add3A_1204 = vector.broadcast %slice3A_1200 : vector<1x64xf32> to vector<128x64xf32>
    %add3A_1205 = arith.addf %dot_general3A_1203, %add3A_1204 : vector<128x64xf32>
    %slice3A_1206 = vector.extract_strided_slice %add3A_1205 {offsets = [127, 0], sizes = [1, 64], strides = [1, 1]} : vector<128x64xf32> to vector<1x64xf32>
    %slice3A_1207 = vector.extract_strided_slice %convert_element_type3A_1187 {offsets = [256, 0], sizes = [128, 64], strides = [1, 1]} : vector<2048x64xf32> to vector<128x64xf32>
    %dot_general3A_1208 = arith.constant dense<0.000000e+00> : vector<128x64xf32>
    %dot_general3A_1209 = tpu.matmul %convert_element_type3A_1192, %slice3A_1207, %dot_general3A_1208 {dimension_numbers = #tpu.dot_dimension_numbers<[1], [0], [0], [1], [0, 0, 1, 1], [], []>, transpose_lhs_hint = false} : vector<128x128xf32>, vector<128x64xf32>, vector<128x64xf32> -> vector<128x64xf32>
    %add3A_1210 = vector.broadcast %slice3A_1206 : vector<1x64xf32> to vector<128x64xf32>
    %add3A_1211 = arith.addf %dot_general3A_1209, %add3A_1210 : vector<128x64xf32>
    %slice3A_1212 = vector.extract_strided_slice %add3A_1211 {offsets = [127, 0], sizes = [1, 64], strides = [1, 1]} : vector<128x64xf32> to vector<1x64xf32>
    %slice3A_1213 = vector.extract_strided_slice %convert_element_type3A_1187 {offsets = [384, 0], sizes = [128, 64], strides = [1, 1]} : vector<2048x64xf32> to vector<128x64xf32>
    %dot_general3A_1214 = arith.constant dense<0.000000e+00> : vector<128x64xf32>
    %dot_general3A_1215 = tpu.matmul %convert_element_type3A_1192, %slice3A_1213, %dot_general3A_1214 {dimension_numbers = #tpu.dot_dimension_numbers<[1], [0], [0], [1], [0, 0, 1, 1], [], []>, transpose_lhs_hint = false} : vector<128x128xf32>, vector<128x64xf32>, vector<128x64xf32> -> vector<128x64xf32>
    %add3A_1216 = vector.broadcast %slice3A_1212 : vector<1x64xf32> to vector<128x64xf32>
    %add3A_1217 = arith.addf %dot_general3A_1215, %add3A_1216 : vector<128x64xf32>
    %slice3A_1218 = vector.extract_strided_slice %add3A_1217 {offsets = [127, 0], sizes = [1, 64], strides = [1, 1]} : vector<128x64xf32> to vector<1x64xf32>
    %slice3A_1219 = vector.extract_strided_slice %convert_element_type3A_1187 {offsets = [512, 0], sizes = [128, 64], strides = [1, 1]} : vector<2048x64xf32> to vector<128x64xf32>
    %dot_general3A_1220 = arith.constant dense<0.000000e+00> : vector<128x64xf32>
    %dot_general3A_1221 = tpu.matmul %convert_element_type3A_1192, %slice3A_1219, %dot_general3A_1220 {dimension_numbers = #tpu.dot_dimension_numbers<[1], [0], [0], [1], [0, 0, 1, 1], [], []>, transpose_lhs_hint = false} : vector<128x128xf32>, vector<128x64xf32>, vector<128x64xf32> -> vector<128x64xf32>
    %add3A_1222 = vector.broadcast %slice3A_1218 : vector<1x64xf32> to vector<128x64xf32>
    %add3A_1223 = arith.addf %dot_general3A_1221, %add3A_1222 : vector<128x64xf32>
    %slice3A_1224 = vector.extract_strided_slice %add3A_1223 {offsets = [127, 0], sizes = [1, 64], strides = [1, 1]} : vector<128x64xf32> to vector<1x64xf32>
    %slice3A_1225 = vector.extract_strided_slice %convert_element_type3A_1187 {offsets = [640, 0], sizes = [128, 64], strides = [1, 1]} : vector<2048x64xf32> to vector<128x64xf32>
    %dot_general3A_1226 = arith.constant dense<0.000000e+00> : vector<128x64xf32>
    %dot_general3A_1227 = tpu.matmul %convert_element_type3A_1192, %slice3A_1225, %dot_general3A_1226 {dimension_numbers = #tpu.dot_dimension_numbers<[1], [0], [0], [1], [0, 0, 1, 1], [], []>, transpose_lhs_hint = false} : vector<128x128xf32>, vector<128x64xf32>, vector<128x64xf32> -> vector<128x64xf32>
    %add3A_1228 = vector.broadcast %slice3A_1224 : vector<1x64xf32> to vector<128x64xf32>
    %add3A_1229 = arith.addf %dot_general3A_1227, %add3A_1228 : vector<128x64xf32>
    %slice3A_1230 = vector.extract_strided_slice %add3A_1229 {offsets = [127, 0], sizes = [1, 64], strides = [1, 1]} : vector<128x64xf32> to vector<1x64xf32>
    %slice3A_1231 = vector.extract_strided_slice %convert_element_type3A_1187 {offsets = [768, 0], sizes = [128, 64], strides = [1, 1]} : vector<2048x64xf32> to vector<128x64xf32>
    %dot_general3A_1232 = arith.constant dense<0.000000e+00> : vector<128x64xf32>
    %dot_general3A_1233 = tpu.matmul %convert_element_type3A_1192, %slice3A_1231, %dot_general3A_1232 {dimension_numbers = #tpu.dot_dimension_numbers<[1], [0], [0], [1], [0, 0, 1, 1], [], []>, transpose_lhs_hint = false} : vector<128x128xf32>, vector<128x64xf32>, vector<128x64xf32> -> vector<128x64xf32>
    %add3A_1234 = vector.broadcast %slice3A_1230 : vector<1x64xf32> to vector<128x64xf32>
    %add3A_1235 = arith.addf %dot_general3A_1233, %add3A_1234 : vector<128x64xf32>
    %slice3A_1236 = vector.extract_strided_slice %add3A_1235 {offsets = [127, 0], sizes = [1, 64], strides = [1, 1]} : vector<128x64xf32> to vector<1x64xf32>
    %slice3A_1237 = vector.extract_strided_slice %convert_element_type3A_1187 {offsets = [896, 0], sizes = [128, 64], strides = [1, 1]} : vector<2048x64xf32> to vector<128x64xf32>
    %dot_general3A_1238 = arith.constant dense<0.000000e+00> : vector<128x64xf32>
    %dot_general3A_1239 = tpu.matmul %convert_element_type3A_1192, %slice3A_1237, %dot_general3A_1238 {dimension_numbers = #tpu.dot_dimension_numbers<[1], [0], [0], [1], [0, 0, 1, 1], [], []>, transpose_lhs_hint = false} : vector<128x128xf32>, vector<128x64xf32>, vector<128x64xf32> -> vector<128x64xf32>
    %add3A_1240 = vector.broadcast %slice3A_1236 : vector<1x64xf32> to vector<128x64xf32>
    %add3A_1241 = arith.addf %dot_general3A_1239, %add3A_1240 : vector<128x64xf32>
    %slice3A_1242 = vector.extract_strided_slice %add3A_1241 {offsets = [127, 0], sizes = [1, 64], strides = [1, 1]} : vector<128x64xf32> to vector<1x64xf32>
    %slice3A_1243 = vector.extract_strided_slice %convert_element_type3A_1187 {offsets = [1024, 0], sizes = [128, 64], strides = [1, 1]} : vector<2048x64xf32> to vector<128x64xf32>
    %dot_general3A_1244 = arith.constant dense<0.000000e+00> : vector<128x64xf32>
    %dot_general3A_1245 = tpu.matmul %convert_element_type3A_1192, %slice3A_1243, %dot_general3A_1244 {dimension_numbers = #tpu.dot_dimension_numbers<[1], [0], [0], [1], [0, 0, 1, 1], [], []>, transpose_lhs_hint = false} : vector<128x128xf32>, vector<128x64xf32>, vector<128x64xf32> -> vector<128x64xf32>
    %add3A_1246 = vector.broadcast %slice3A_1242 : vector<1x64xf32> to vector<128x64xf32>
    %add3A_1247 = arith.addf %dot_general3A_1245, %add3A_1246 : vector<128x64xf32>
    %slice3A_1248 = vector.extract_strided_slice %add3A_1247 {offsets = [127, 0], sizes = [1, 64], strides = [1, 1]} : vector<128x64xf32> to vector<1x64xf32>
    %slice3A_1249 = vector.extract_strided_slice %convert_element_type3A_1187 {offsets = [1152, 0], sizes = [128, 64], strides = [1, 1]} : vector<2048x64xf32> to vector<128x64xf32>
    %dot_general3A_1250 = arith.constant dense<0.000000e+00> : vector<128x64xf32>
    %dot_general3A_1251 = tpu.matmul %convert_element_type3A_1192, %slice3A_1249, %dot_general3A_1250 {dimension_numbers = #tpu.dot_dimension_numbers<[1], [0], [0], [1], [0, 0, 1, 1], [], []>, transpose_lhs_hint = false} : vector<128x128xf32>, vector<128x64xf32>, vector<128x64xf32> -> vector<128x64xf32>
    %add3A_1252 = vector.broadcast %slice3A_1248 : vector<1x64xf32> to vector<128x64xf32>
    %add3A_1253 = arith.addf %dot_general3A_1251, %add3A_1252 : vector<128x64xf32>
    %slice3A_1254 = vector.extract_strided_slice %add3A_1253 {offsets = [127, 0], sizes = [1, 64], strides = [1, 1]} : vector<128x64xf32> to vector<1x64xf32>
    %slice3A_1255 = vector.extract_strided_slice %convert_element_type3A_1187 {offsets = [1280, 0], sizes = [128, 64], strides = [1, 1]} : vector<2048x64xf32> to vector<128x64xf32>
    %dot_general3A_1256 = arith.constant dense<0.000000e+00> : vector<128x64xf32>
    %dot_general3A_1257 = tpu.matmul %convert_element_type3A_1192, %slice3A_1255, %dot_general3A_1256 {dimension_numbers = #tpu.dot_dimension_numbers<[1], [0], [0], [1], [0, 0, 1, 1], [], []>, transpose_lhs_hint = false} : vector<128x128xf32>, vector<128x64xf32>, vector<128x64xf32> -> vector<128x64xf32>
    %add3A_1258 = vector.broadcast %slice3A_1254 : vector<1x64xf32> to vector<128x64xf32>
    %add3A_1259 = arith.addf %dot_general3A_1257, %add3A_1258 : vector<128x64xf32>
    %slice3A_1260 = vector.extract_strided_slice %add3A_1259 {offsets = [127, 0], sizes = [1, 64], strides = [1, 1]} : vector<128x64xf32> to vector<1x64xf32>
    %slice3A_1261 = vector.extract_strided_slice %convert_element_type3A_1187 {offsets = [1408, 0], sizes = [128, 64], strides = [1, 1]} : vector<2048x64xf32> to vector<128x64xf32>
    %dot_general3A_1262 = arith.constant dense<0.000000e+00> : vector<128x64xf32>
    %dot_general3A_1263 = tpu.matmul %convert_element_type3A_1192, %slice3A_1261, %dot_general3A_1262 {dimension_numbers = #tpu.dot_dimension_numbers<[1], [0], [0], [1], [0, 0, 1, 1], [], []>, transpose_lhs_hint = false} : vector<128x128xf32>, vector<128x64xf32>, vector<128x64xf32> -> vector<128x64xf32>
    %add3A_1264 = vector.broadcast %slice3A_1260 : vector<1x64xf32> to vector<128x64xf32>
    %add3A_1265 = arith.addf %dot_general3A_1263, %add3A_1264 : vector<128x64xf32>
    %slice3A_1266 = vector.extract_strided_slice %add3A_1265 {offsets = [127, 0], sizes = [1, 64], strides = [1, 1]} : vector<128x64xf32> to vector<1x64xf32>
    %slice3A_1267 = vector.extract_strided_slice %convert_element_type3A_1187 {offsets = [1536, 0], sizes = [128, 64], strides = [1, 1]} : vector<2048x64xf32> to vector<128x64xf32>
    %dot_general3A_1268 = arith.constant dense<0.000000e+00> : vector<128x64xf32>
    %dot_general3A_1269 = tpu.matmul %convert_element_type3A_1192, %slice3A_1267, %dot_general3A_1268 {dimension_numbers = #tpu.dot_dimension_numbers<[1], [0], [0], [1], [0, 0, 1, 1], [], []>, transpose_lhs_hint = false} : vector<128x128xf32>, vector<128x64xf32>, vector<128x64xf32> -> vector<128x64xf32>
    %add3A_1270 = vector.broadcast %slice3A_1266 : vector<1x64xf32> to vector<128x64xf32>
    %add3A_1271 = arith.addf %dot_general3A_1269, %add3A_1270 : vector<128x64xf32>
    %slice3A_1272 = vector.extract_strided_slice %add3A_1271 {offsets = [127, 0], sizes = [1, 64], strides = [1, 1]} : vector<128x64xf32> to vector<1x64xf32>
    %slice3A_1273 = vector.extract_strided_slice %convert_element_type3A_1187 {offsets = [1664, 0], sizes = [128, 64], strides = [1, 1]} : vector<2048x64xf32> to vector<128x64xf32>
    %dot_general3A_1274 = arith.constant dense<0.000000e+00> : vector<128x64xf32>
    %dot_general3A_1275 = tpu.matmul %convert_element_type3A_1192, %slice3A_1273, %dot_general3A_1274 {dimension_numbers = #tpu.dot_dimension_numbers<[1], [0], [0], [1], [0, 0, 1, 1], [], []>, transpose_lhs_hint = false} : vector<128x128xf32>, vector<128x64xf32>, vector<128x64xf32> -> vector<128x64xf32>
    %add3A_1276 = vector.broadcast %slice3A_1272 : vector<1x64xf32> to vector<128x64xf32>
    %add3A_1277 = arith.addf %dot_general3A_1275, %add3A_1276 : vector<128x64xf32>
    %slice3A_1278 = vector.extract_strided_slice %add3A_1277 {offsets = [127, 0], sizes = [1, 64], strides = [1, 1]} : vector<128x64xf32> to vector<1x64xf32>
    %slice3A_1279 = vector.extract_strided_slice %convert_element_type3A_1187 {offsets = [1792, 0], sizes = [128, 64], strides = [1, 1]} : vector<2048x64xf32> to vector<128x64xf32>
    %dot_general3A_1280 = arith.constant dense<0.000000e+00> : vector<128x64xf32>
    %dot_general3A_1281 = tpu.matmul %convert_element_type3A_1192, %slice3A_1279, %dot_general3A_1280 {dimension_numbers = #tpu.dot_dimension_numbers<[1], [0], [0], [1], [0, 0, 1, 1], [], []>, transpose_lhs_hint = false} : vector<128x128xf32>, vector<128x64xf32>, vector<128x64xf32> -> vector<128x64xf32>
    %add3A_1282 = vector.broadcast %slice3A_1278 : vector<1x64xf32> to vector<128x64xf32>
    %add3A_1283 = arith.addf %dot_general3A_1281, %add3A_1282 : vector<128x64xf32>
    %slice3A_1284 = vector.extract_strided_slice %add3A_1283 {offsets = [127, 0], sizes = [1, 64], strides = [1, 1]} : vector<128x64xf32> to vector<1x64xf32>
    %slice3A_1285 = vector.extract_strided_slice %convert_element_type3A_1187 {offsets = [1920, 0], sizes = [128, 64], strides = [1, 1]} : vector<2048x64xf32> to vector<128x64xf32>
    %dot_general3A_1286 = arith.constant dense<0.000000e+00> : vector<128x64xf32>
    %dot_general3A_1287 = tpu.matmul %convert_element_type3A_1192, %slice3A_1285, %dot_general3A_1286 {dimension_numbers = #tpu.dot_dimension_numbers<[1], [0], [0], [1], [0, 0, 1, 1], [], []>, transpose_lhs_hint = false} : vector<128x128xf32>, vector<128x64xf32>, vector<128x64xf32> -> vector<128x64xf32>
    %add3A_1288 = vector.broadcast %slice3A_1284 : vector<1x64xf32> to vector<128x64xf32>
    %add3A_1289 = arith.addf %dot_general3A_1287, %add3A_1288 : vector<128x64xf32>
    %concatenate3A_1290 = tpu.concatenate %add3A_1199, %add3A_1205, %add3A_1211, %add3A_1217, %add3A_1223, %add3A_1229, %add3A_1235, %add3A_1241, %add3A_1247, %add3A_1253, %add3A_1259, %add3A_1265, %add3A_1271, %add3A_1277, %add3A_1283, %add3A_1289 in 0 : vector<128x64xf32>, vector<128x64xf32>, vector<128x64xf32>, vector<128x64xf32>, vector<128x64xf32>, vector<128x64xf32>, vector<128x64xf32>, vector<128x64xf32>, vector<128x64xf32>, vector<128x64xf32>, vector<128x64xf32>, vector<128x64xf32>, vector<128x64xf32>, vector<128x64xf32>, vector<128x64xf32>, vector<128x64xf32> -> vector<2048x64xf32>
    %sub3A_1291 = arith.subf %concatenate3A_1290, %convert_element_type3A_1187 : vector<2048x64xf32>
    %add3A_1292 = vector.broadcast %add3A_1183 : vector<1x64xf32> to vector<2048x64xf32>
    %add3A_1293 = arith.addf %sub3A_1291, %add3A_1292 : vector<2048x64xf32>
    %slice3A_1294 = vector.extract_strided_slice %concatenate3A_1290 {offsets = [2047, 0], sizes = [1, 64], strides = [1, 1]} : vector<2048x64xf32> to vector<1x64xf32>
    %add3A_1295 = arith.addf %add3A_1183, %slice3A_1294 : vector<1x64xf32>
    %eq3A_1296 = vector.broadcast %add3A_954 : vector<2048x1xi32> to vector<2048x64xi32>
    %eq3A_1297 = arith.cmpi eq, %eq3A_1296, %iota3A_960 : vector<2048x64xi32>
    %convert_element_type3A_1298 = arith.extui %eq3A_1297 : vector<2048x64xi1> to vector<2048x64xi32>
    %convert_element_type3A_1299 = arith.sitofp %convert_element_type3A_1298 : vector<2048x64xi32> to vector<2048x64xf32>
    %iota3A_1300 = tpu.iota {dimensions = array<i32: 1>} : vector<128x128xi32>
    %iota3A_1301 = tpu.iota {dimensions = array<i32: 0>} : vector<128x128xi32>
    %le3A_1302 = arith.cmpi sle, %iota3A_1300, %iota3A_1301 : vector<128x128xi32>
    %convert_element_type3A_1303 = arith.extui %le3A_1302 : vector<128x128xi1> to vector<128x128xi32>
    %convert_element_type3A_1304 = arith.sitofp %convert_element_type3A_1303 : vector<128x128xi32> to vector<128x128xf32>
    %broadcast_in_dim3A_1305 = arith.constant 0.000000e+00 : f32
    %broadcast_in_dim3A_1306 = vector.broadcast %broadcast_in_dim3A_1305 : f32 to vector<1x64xf32>
    %slice3A_1307 = vector.extract_strided_slice %convert_element_type3A_1299 {offsets = [0, 0], sizes = [128, 64], strides = [1, 1]} : vector<2048x64xf32> to vector<128x64xf32>
    %dot_general3A_1308 = arith.constant dense<0.000000e+00> : vector<128x64xf32>
    %dot_general3A_1309 = tpu.matmul %convert_element_type3A_1304, %slice3A_1307, %dot_general3A_1308 {dimension_numbers = #tpu.dot_dimension_numbers<[1], [0], [0], [1], [0, 0, 1, 1], [], []>, transpose_lhs_hint = false} : vector<128x128xf32>, vector<128x64xf32>, vector<128x64xf32> -> vector<128x64xf32>
    %add3A_1310 = vector.broadcast %broadcast_in_dim3A_1306 : vector<1x64xf32> to vector<128x64xf32>
    %add3A_1311 = arith.addf %dot_general3A_1309, %add3A_1310 : vector<128x64xf32>
    %slice3A_1312 = vector.extract_strided_slice %add3A_1311 {offsets = [127, 0], sizes = [1, 64], strides = [1, 1]} : vector<128x64xf32> to vector<1x64xf32>
    %slice3A_1313 = vector.extract_strided_slice %convert_element_type3A_1299 {offsets = [128, 0], sizes = [128, 64], strides = [1, 1]} : vector<2048x64xf32> to vector<128x64xf32>
    %dot_general3A_1314 = arith.constant dense<0.000000e+00> : vector<128x64xf32>
    %dot_general3A_1315 = tpu.matmul %convert_element_type3A_1304, %slice3A_1313, %dot_general3A_1314 {dimension_numbers = #tpu.dot_dimension_numbers<[1], [0], [0], [1], [0, 0, 1, 1], [], []>, transpose_lhs_hint = false} : vector<128x128xf32>, vector<128x64xf32>, vector<128x64xf32> -> vector<128x64xf32>
    %add3A_1316 = vector.broadcast %slice3A_1312 : vector<1x64xf32> to vector<128x64xf32>
    %add3A_1317 = arith.addf %dot_general3A_1315, %add3A_1316 : vector<128x64xf32>
    %slice3A_1318 = vector.extract_strided_slice %add3A_1317 {offsets = [127, 0], sizes = [1, 64], strides = [1, 1]} : vector<128x64xf32> to vector<1x64xf32>
    %slice3A_1319 = vector.extract_strided_slice %convert_element_type3A_1299 {offsets = [256, 0], sizes = [128, 64], strides = [1, 1]} : vector<2048x64xf32> to vector<128x64xf32>
    %dot_general3A_1320 = arith.constant dense<0.000000e+00> : vector<128x64xf32>
    %dot_general3A_1321 = tpu.matmul %convert_element_type3A_1304, %slice3A_1319, %dot_general3A_1320 {dimension_numbers = #tpu.dot_dimension_numbers<[1], [0], [0], [1], [0, 0, 1, 1], [], []>, transpose_lhs_hint = false} : vector<128x128xf32>, vector<128x64xf32>, vector<128x64xf32> -> vector<128x64xf32>
    %add3A_1322 = vector.broadcast %slice3A_1318 : vector<1x64xf32> to vector<128x64xf32>
    %add3A_1323 = arith.addf %dot_general3A_1321, %add3A_1322 : vector<128x64xf32>
    %slice3A_1324 = vector.extract_strided_slice %add3A_1323 {offsets = [127, 0], sizes = [1, 64], strides = [1, 1]} : vector<128x64xf32> to vector<1x64xf32>
    %slice3A_1325 = vector.extract_strided_slice %convert_element_type3A_1299 {offsets = [384, 0], sizes = [128, 64], strides = [1, 1]} : vector<2048x64xf32> to vector<128x64xf32>
    %dot_general3A_1326 = arith.constant dense<0.000000e+00> : vector<128x64xf32>
    %dot_general3A_1327 = tpu.matmul %convert_element_type3A_1304, %slice3A_1325, %dot_general3A_1326 {dimension_numbers = #tpu.dot_dimension_numbers<[1], [0], [0], [1], [0, 0, 1, 1], [], []>, transpose_lhs_hint = false} : vector<128x128xf32>, vector<128x64xf32>, vector<128x64xf32> -> vector<128x64xf32>
    %add3A_1328 = vector.broadcast %slice3A_1324 : vector<1x64xf32> to vector<128x64xf32>
    %add3A_1329 = arith.addf %dot_general3A_1327, %add3A_1328 : vector<128x64xf32>
    %slice3A_1330 = vector.extract_strided_slice %add3A_1329 {offsets = [127, 0], sizes = [1, 64], strides = [1, 1]} : vector<128x64xf32> to vector<1x64xf32>
    %slice3A_1331 = vector.extract_strided_slice %convert_element_type3A_1299 {offsets = [512, 0], sizes = [128, 64], strides = [1, 1]} : vector<2048x64xf32> to vector<128x64xf32>
    %dot_general3A_1332 = arith.constant dense<0.000000e+00> : vector<128x64xf32>
    %dot_general3A_1333 = tpu.matmul %convert_element_type3A_1304, %slice3A_1331, %dot_general3A_1332 {dimension_numbers = #tpu.dot_dimension_numbers<[1], [0], [0], [1], [0, 0, 1, 1], [], []>, transpose_lhs_hint = false} : vector<128x128xf32>, vector<128x64xf32>, vector<128x64xf32> -> vector<128x64xf32>
    %add3A_1334 = vector.broadcast %slice3A_1330 : vector<1x64xf32> to vector<128x64xf32>
    %add3A_1335 = arith.addf %dot_general3A_1333, %add3A_1334 : vector<128x64xf32>
    %slice3A_1336 = vector.extract_strided_slice %add3A_1335 {offsets = [127, 0], sizes = [1, 64], strides = [1, 1]} : vector<128x64xf32> to vector<1x64xf32>
    %slice3A_1337 = vector.extract_strided_slice %convert_element_type3A_1299 {offsets = [640, 0], sizes = [128, 64], strides = [1, 1]} : vector<2048x64xf32> to vector<128x64xf32>
    %dot_general3A_1338 = arith.constant dense<0.000000e+00> : vector<128x64xf32>
    %dot_general3A_1339 = tpu.matmul %convert_element_type3A_1304, %slice3A_1337, %dot_general3A_1338 {dimension_numbers = #tpu.dot_dimension_numbers<[1], [0], [0], [1], [0, 0, 1, 1], [], []>, transpose_lhs_hint = false} : vector<128x128xf32>, vector<128x64xf32>, vector<128x64xf32> -> vector<128x64xf32>
    %add3A_1340 = vector.broadcast %slice3A_1336 : vector<1x64xf32> to vector<128x64xf32>
    %add3A_1341 = arith.addf %dot_general3A_1339, %add3A_1340 : vector<128x64xf32>
    %slice3A_1342 = vector.extract_strided_slice %add3A_1341 {offsets = [127, 0], sizes = [1, 64], strides = [1, 1]} : vector<128x64xf32> to vector<1x64xf32>
    %slice3A_1343 = vector.extract_strided_slice %convert_element_type3A_1299 {offsets = [768, 0], sizes = [128, 64], strides = [1, 1]} : vector<2048x64xf32> to vector<128x64xf32>
    %dot_general3A_1344 = arith.constant dense<0.000000e+00> : vector<128x64xf32>
    %dot_general3A_1345 = tpu.matmul %convert_element_type3A_1304, %slice3A_1343, %dot_general3A_1344 {dimension_numbers = #tpu.dot_dimension_numbers<[1], [0], [0], [1], [0, 0, 1, 1], [], []>, transpose_lhs_hint = false} : vector<128x128xf32>, vector<128x64xf32>, vector<128x64xf32> -> vector<128x64xf32>
    %add3A_1346 = vector.broadcast %slice3A_1342 : vector<1x64xf32> to vector<128x64xf32>
    %add3A_1347 = arith.addf %dot_general3A_1345, %add3A_1346 : vector<128x64xf32>
    %slice3A_1348 = vector.extract_strided_slice %add3A_1347 {offsets = [127, 0], sizes = [1, 64], strides = [1, 1]} : vector<128x64xf32> to vector<1x64xf32>
    %slice3A_1349 = vector.extract_strided_slice %convert_element_type3A_1299 {offsets = [896, 0], sizes = [128, 64], strides = [1, 1]} : vector<2048x64xf32> to vector<128x64xf32>
    %dot_general3A_1350 = arith.constant dense<0.000000e+00> : vector<128x64xf32>
    %dot_general3A_1351 = tpu.matmul %convert_element_type3A_1304, %slice3A_1349, %dot_general3A_1350 {dimension_numbers = #tpu.dot_dimension_numbers<[1], [0], [0], [1], [0, 0, 1, 1], [], []>, transpose_lhs_hint = false} : vector<128x128xf32>, vector<128x64xf32>, vector<128x64xf32> -> vector<128x64xf32>
    %add3A_1352 = vector.broadcast %slice3A_1348 : vector<1x64xf32> to vector<128x64xf32>
    %add3A_1353 = arith.addf %dot_general3A_1351, %add3A_1352 : vector<128x64xf32>
    %slice3A_1354 = vector.extract_strided_slice %add3A_1353 {offsets = [127, 0], sizes = [1, 64], strides = [1, 1]} : vector<128x64xf32> to vector<1x64xf32>
    %slice3A_1355 = vector.extract_strided_slice %convert_element_type3A_1299 {offsets = [1024, 0], sizes = [128, 64], strides = [1, 1]} : vector<2048x64xf32> to vector<128x64xf32>
    %dot_general3A_1356 = arith.constant dense<0.000000e+00> : vector<128x64xf32>
    %dot_general3A_1357 = tpu.matmul %convert_element_type3A_1304, %slice3A_1355, %dot_general3A_1356 {dimension_numbers = #tpu.dot_dimension_numbers<[1], [0], [0], [1], [0, 0, 1, 1], [], []>, transpose_lhs_hint = false} : vector<128x128xf32>, vector<128x64xf32>, vector<128x64xf32> -> vector<128x64xf32>
    %add3A_1358 = vector.broadcast %slice3A_1354 : vector<1x64xf32> to vector<128x64xf32>
    %add3A_1359 = arith.addf %dot_general3A_1357, %add3A_1358 : vector<128x64xf32>
    %slice3A_1360 = vector.extract_strided_slice %add3A_1359 {offsets = [127, 0], sizes = [1, 64], strides = [1, 1]} : vector<128x64xf32> to vector<1x64xf32>
    %slice3A_1361 = vector.extract_strided_slice %convert_element_type3A_1299 {offsets = [1152, 0], sizes = [128, 64], strides = [1, 1]} : vector<2048x64xf32> to vector<128x64xf32>
    %dot_general3A_1362 = arith.constant dense<0.000000e+00> : vector<128x64xf32>
    %dot_general3A_1363 = tpu.matmul %convert_element_type3A_1304, %slice3A_1361, %dot_general3A_1362 {dimension_numbers = #tpu.dot_dimension_numbers<[1], [0], [0], [1], [0, 0, 1, 1], [], []>, transpose_lhs_hint = false} : vector<128x128xf32>, vector<128x64xf32>, vector<128x64xf32> -> vector<128x64xf32>
    %add3A_1364 = vector.broadcast %slice3A_1360 : vector<1x64xf32> to vector<128x64xf32>
    %add3A_1365 = arith.addf %dot_general3A_1363, %add3A_1364 : vector<128x64xf32>
    %slice3A_1366 = vector.extract_strided_slice %add3A_1365 {offsets = [127, 0], sizes = [1, 64], strides = [1, 1]} : vector<128x64xf32> to vector<1x64xf32>
    %slice3A_1367 = vector.extract_strided_slice %convert_element_type3A_1299 {offsets = [1280, 0], sizes = [128, 64], strides = [1, 1]} : vector<2048x64xf32> to vector<128x64xf32>
    %dot_general3A_1368 = arith.constant dense<0.000000e+00> : vector<128x64xf32>
    %dot_general3A_1369 = tpu.matmul %convert_element_type3A_1304, %slice3A_1367, %dot_general3A_1368 {dimension_numbers = #tpu.dot_dimension_numbers<[1], [0], [0], [1], [0, 0, 1, 1], [], []>, transpose_lhs_hint = false} : vector<128x128xf32>, vector<128x64xf32>, vector<128x64xf32> -> vector<128x64xf32>
    %add3A_1370 = vector.broadcast %slice3A_1366 : vector<1x64xf32> to vector<128x64xf32>
    %add3A_1371 = arith.addf %dot_general3A_1369, %add3A_1370 : vector<128x64xf32>
    %slice3A_1372 = vector.extract_strided_slice %add3A_1371 {offsets = [127, 0], sizes = [1, 64], strides = [1, 1]} : vector<128x64xf32> to vector<1x64xf32>
    %slice3A_1373 = vector.extract_strided_slice %convert_element_type3A_1299 {offsets = [1408, 0], sizes = [128, 64], strides = [1, 1]} : vector<2048x64xf32> to vector<128x64xf32>
    %dot_general3A_1374 = arith.constant dense<0.000000e+00> : vector<128x64xf32>
    %dot_general3A_1375 = tpu.matmul %convert_element_type3A_1304, %slice3A_1373, %dot_general3A_1374 {dimension_numbers = #tpu.dot_dimension_numbers<[1], [0], [0], [1], [0, 0, 1, 1], [], []>, transpose_lhs_hint = false} : vector<128x128xf32>, vector<128x64xf32>, vector<128x64xf32> -> vector<128x64xf32>
    %add3A_1376 = vector.broadcast %slice3A_1372 : vector<1x64xf32> to vector<128x64xf32>
    %add3A_1377 = arith.addf %dot_general3A_1375, %add3A_1376 : vector<128x64xf32>
    %slice3A_1378 = vector.extract_strided_slice %add3A_1377 {offsets = [127, 0], sizes = [1, 64], strides = [1, 1]} : vector<128x64xf32> to vector<1x64xf32>
    %slice3A_1379 = vector.extract_strided_slice %convert_element_type3A_1299 {offsets = [1536, 0], sizes = [128, 64], strides = [1, 1]} : vector<2048x64xf32> to vector<128x64xf32>
    %dot_general3A_1380 = arith.constant dense<0.000000e+00> : vector<128x64xf32>
    %dot_general3A_1381 = tpu.matmul %convert_element_type3A_1304, %slice3A_1379, %dot_general3A_1380 {dimension_numbers = #tpu.dot_dimension_numbers<[1], [0], [0], [1], [0, 0, 1, 1], [], []>, transpose_lhs_hint = false} : vector<128x128xf32>, vector<128x64xf32>, vector<128x64xf32> -> vector<128x64xf32>
    %add3A_1382 = vector.broadcast %slice3A_1378 : vector<1x64xf32> to vector<128x64xf32>
    %add3A_1383 = arith.addf %dot_general3A_1381, %add3A_1382 : vector<128x64xf32>
    %slice3A_1384 = vector.extract_strided_slice %add3A_1383 {offsets = [127, 0], sizes = [1, 64], strides = [1, 1]} : vector<128x64xf32> to vector<1x64xf32>
    %slice3A_1385 = vector.extract_strided_slice %convert_element_type3A_1299 {offsets = [1664, 0], sizes = [128, 64], strides = [1, 1]} : vector<2048x64xf32> to vector<128x64xf32>
    %dot_general3A_1386 = arith.constant dense<0.000000e+00> : vector<128x64xf32>
    %dot_general3A_1387 = tpu.matmul %convert_element_type3A_1304, %slice3A_1385, %dot_general3A_1386 {dimension_numbers = #tpu.dot_dimension_numbers<[1], [0], [0], [1], [0, 0, 1, 1], [], []>, transpose_lhs_hint = false} : vector<128x128xf32>, vector<128x64xf32>, vector<128x64xf32> -> vector<128x64xf32>
    %add3A_1388 = vector.broadcast %slice3A_1384 : vector<1x64xf32> to vector<128x64xf32>
    %add3A_1389 = arith.addf %dot_general3A_1387, %add3A_1388 : vector<128x64xf32>
    %slice3A_1390 = vector.extract_strided_slice %add3A_1389 {offsets = [127, 0], sizes = [1, 64], strides = [1, 1]} : vector<128x64xf32> to vector<1x64xf32>
    %slice3A_1391 = vector.extract_strided_slice %convert_element_type3A_1299 {offsets = [1792, 0], sizes = [128, 64], strides = [1, 1]} : vector<2048x64xf32> to vector<128x64xf32>
    %dot_general3A_1392 = arith.constant dense<0.000000e+00> : vector<128x64xf32>
    %dot_general3A_1393 = tpu.matmul %convert_element_type3A_1304, %slice3A_1391, %dot_general3A_1392 {dimension_numbers = #tpu.dot_dimension_numbers<[1], [0], [0], [1], [0, 0, 1, 1], [], []>, transpose_lhs_hint = false} : vector<128x128xf32>, vector<128x64xf32>, vector<128x64xf32> -> vector<128x64xf32>
    %add3A_1394 = vector.broadcast %slice3A_1390 : vector<1x64xf32> to vector<128x64xf32>
    %add3A_1395 = arith.addf %dot_general3A_1393, %add3A_1394 : vector<128x64xf32>
    %slice3A_1396 = vector.extract_strided_slice %add3A_1395 {offsets = [127, 0], sizes = [1, 64], strides = [1, 1]} : vector<128x64xf32> to vector<1x64xf32>
    %slice3A_1397 = vector.extract_strided_slice %convert_element_type3A_1299 {offsets = [1920, 0], sizes = [128, 64], strides = [1, 1]} : vector<2048x64xf32> to vector<128x64xf32>
    %dot_general3A_1398 = arith.constant dense<0.000000e+00> : vector<128x64xf32>
    %dot_general3A_1399 = tpu.matmul %convert_element_type3A_1304, %slice3A_1397, %dot_general3A_1398 {dimension_numbers = #tpu.dot_dimension_numbers<[1], [0], [0], [1], [0, 0, 1, 1], [], []>, transpose_lhs_hint = false} : vector<128x128xf32>, vector<128x64xf32>, vector<128x64xf32> -> vector<128x64xf32>
    %add3A_1400 = vector.broadcast %slice3A_1396 : vector<1x64xf32> to vector<128x64xf32>
    %add3A_1401 = arith.addf %dot_general3A_1399, %add3A_1400 : vector<128x64xf32>
    %concatenate3A_1402 = tpu.concatenate %add3A_1311, %add3A_1317, %add3A_1323, %add3A_1329, %add3A_1335, %add3A_1341, %add3A_1347, %add3A_1353, %add3A_1359, %add3A_1365, %add3A_1371, %add3A_1377, %add3A_1383, %add3A_1389, %add3A_1395, %add3A_1401 in 0 : vector<128x64xf32>, vector<128x64xf32>, vector<128x64xf32>, vector<128x64xf32>, vector<128x64xf32>, vector<128x64xf32>, vector<128x64xf32>, vector<128x64xf32>, vector<128x64xf32>, vector<128x64xf32>, vector<128x64xf32>, vector<128x64xf32>, vector<128x64xf32>, vector<128x64xf32>, vector<128x64xf32>, vector<128x64xf32> -> vector<2048x64xf32>
    %sub3A_1403 = arith.subf %concatenate3A_1402, %convert_element_type3A_1299 : vector<2048x64xf32>
    %add3A_1404 = vector.broadcast %add3A_1295 : vector<1x64xf32> to vector<2048x64xf32>
    %add3A_1405 = arith.addf %sub3A_1403, %add3A_1404 : vector<2048x64xf32>
    %slice3A_1406 = vector.extract_strided_slice %concatenate3A_1402 {offsets = [2047, 0], sizes = [1, 64], strides = [1, 1]} : vector<2048x64xf32> to vector<1x64xf32>
    %add3A_1407 = arith.addf %add3A_1295, %slice3A_1406 : vector<1x64xf32>
    %mul3A_1408 = arith.constant 3.906250e-03 : f32
    %mul3A_1409 = vector.broadcast %mul3A_1408 : f32 to vector<1x64xf32>
    %mul3A_1410 = arith.mulf %add3A_1407, %mul3A_1409 : vector<1x64xf32>
    %ceil3A = math.ceil %mul3A_1410 : vector<1x64xf32>
    %mul3A_1411 = arith.constant 2.560000e+02 : f32
    %mul3A_1412 = vector.broadcast %mul3A_1411 : f32 to vector<1x64xf32>
    %mul3A_1413 = arith.mulf %ceil3A, %mul3A_1412 : vector<1x64xf32>
    %iota3A_1414 = tpu.iota {dimensions = array<i32: 0>} : vector<64x64xi32>
    %iota3A_1415 = tpu.iota {dimensions = array<i32: 1>} : vector<64x64xi32>
    %lt3A = arith.cmpi slt, %iota3A_1414, %iota3A_1415 : vector<64x64xi32>
    %convert_element_type3A_1416 = arith.extui %lt3A : vector<64x64xi1> to vector<64x64xi32>
    %convert_element_type3A_1417 = arith.sitofp %convert_element_type3A_1416 : vector<64x64xi32> to vector<64x64xf32>
    %dot_general3A_1418 = arith.constant dense<0.000000e+00> : vector<1x64xf32>
    %dot_general3A_1419 = tpu.matmul %mul3A_1413, %convert_element_type3A_1417, %dot_general3A_1418 {dimension_numbers = #tpu.dot_dimension_numbers<[1], [0], [0], [1], [0, 0, 1, 1], [], []>, transpose_lhs_hint = false} : vector<1x64xf32>, vector<64x64xf32>, vector<1x64xf32> -> vector<1x64xf32>
    %add3A_1420 = vector.broadcast %dot_general3A_1419 : vector<1x64xf32> to vector<2048x64xf32>
    %add3A_1421 = arith.addf %add3A_1069, %add3A_1420 : vector<2048x64xf32>
    %mul3A_1422 = arith.mulf %add3A_1421, %convert_element_type3A_965 : vector<2048x64xf32>
    %reduce_sum3A_1423 = arith.constant dense<0.000000e+00> : vector<2048xf32>
    %reduce_sum3A_1424 = vector.multi_reduction <add>, %mul3A_1422, %reduce_sum3A_1423 [1] : vector<2048x64xf32> to vector<2048xf32>
    %broadcast_in_dim3A_1425 = vector.shape_cast %reduce_sum3A_1424 : vector<2048xf32> to vector<2048x1xf32>
    %convert_element_type3A_1426 = arith.fptosi %broadcast_in_dim3A_1425 : vector<2048x1xf32> to vector<2048x1xi32>
    %add3A_1427 = vector.broadcast %dot_general3A_1419 : vector<1x64xf32> to vector<2048x64xf32>
    %add3A_1428 = arith.addf %add3A_1181, %add3A_1427 : vector<2048x64xf32>
    %mul3A_1429 = arith.mulf %add3A_1428, %convert_element_type3A_1075 : vector<2048x64xf32>
    %reduce_sum3A_1430 = arith.constant dense<0.000000e+00> : vector<2048xf32>
    %reduce_sum3A_1431 = vector.multi_reduction <add>, %mul3A_1429, %reduce_sum3A_1430 [1] : vector<2048x64xf32> to vector<2048xf32>
    %broadcast_in_dim3A_1432 = vector.shape_cast %reduce_sum3A_1431 : vector<2048xf32> to vector<2048x1xf32>
    %convert_element_type3A_1433 = arith.fptosi %broadcast_in_dim3A_1432 : vector<2048x1xf32> to vector<2048x1xi32>
    %add3A_1434 = vector.broadcast %dot_general3A_1419 : vector<1x64xf32> to vector<2048x64xf32>
    %add3A_1435 = arith.addf %add3A_1293, %add3A_1434 : vector<2048x64xf32>
    %mul3A_1436 = arith.mulf %add3A_1435, %convert_element_type3A_1187 : vector<2048x64xf32>
    %reduce_sum3A_1437 = arith.constant dense<0.000000e+00> : vector<2048xf32>
    %reduce_sum3A_1438 = vector.multi_reduction <add>, %mul3A_1436, %reduce_sum3A_1437 [1] : vector<2048x64xf32> to vector<2048xf32>
    %broadcast_in_dim3A_1439 = vector.shape_cast %reduce_sum3A_1438 : vector<2048xf32> to vector<2048x1xf32>
    %convert_element_type3A_1440 = arith.fptosi %broadcast_in_dim3A_1439 : vector<2048x1xf32> to vector<2048x1xi32>
    %add3A_1441 = vector.broadcast %dot_general3A_1419 : vector<1x64xf32> to vector<2048x64xf32>
    %add3A_1442 = arith.addf %add3A_1405, %add3A_1441 : vector<2048x64xf32>
    %mul3A_1443 = arith.mulf %add3A_1442, %convert_element_type3A_1299 : vector<2048x64xf32>
    %reduce_sum3A_1444 = arith.constant dense<0.000000e+00> : vector<2048xf32>
    %reduce_sum3A_1445 = vector.multi_reduction <add>, %mul3A_1443, %reduce_sum3A_1444 [1] : vector<2048x64xf32> to vector<2048xf32>
    %broadcast_in_dim3A_1446 = vector.shape_cast %reduce_sum3A_1445 : vector<2048xf32> to vector<2048x1xf32>
    %convert_element_type3A_1447 = arith.fptosi %broadcast_in_dim3A_1446 : vector<2048x1xf32> to vector<2048x1xi32>
    %concatenate3A_1448 = tpu.concatenate %convert_element_type3A_1426, %convert_element_type3A_1433, %convert_element_type3A_1440, %convert_element_type3A_1447 in 1 : vector<2048x1xi32>, vector<2048x1xi32>, vector<2048x1xi32>, vector<2048x1xi32> -> vector<2048x4xi32>
    %swap3A_1449 = arith.constant 0 : index
    %swap3A_1450 = arith.constant 0 : index
    %swap3A_1451 = vector.load %arg5[%swap3A_1449, %swap3A_1450] : memref<2048x4xi32, #tpu.memory_space<vmem>>, vector<2048x4xi32>
    tpu.vector_store %arg5[%swap3A_1449, %swap3A_1450], %concatenate3A_1448 {strides = array<i32>} : memref<2048x4xi32, #tpu.memory_space<vmem>>, vector<2048x4xi32>,
    %iota3A_1452 = tpu.iota {dimensions = array<i32: 0>} : vector<96x1xi32>
    %convert_element_type3A_1453 = arith.sitofp %iota3A_1452 : vector<96x1xi32> to vector<96x1xf32>
    %mul3A_1454 = arith.constant 2.560000e+02 : f32
    %mul3A_1455 = vector.broadcast %mul3A_1454 : f32 to vector<96x1xf32>
    %mul3A_1456 = arith.mulf %convert_element_type3A_1453, %mul3A_1455 : vector<96x1xf32>
    %le3A_1457 = vector.broadcast %dot_general3A_1419 : vector<1x64xf32> to vector<96x64xf32>
    %le3A_1458 = vector.broadcast %mul3A_1456 : vector<96x1xf32> to vector<96x64xf32>
    %le3A_1459 = arith.cmpf ole, %le3A_1457, %le3A_1458 : vector<96x64xf32>
    %convert_element_type3A_1460 = arith.extui %le3A_1459 : vector<96x64xi1> to vector<96x64xi32>
    %convert_element_type3A_1461 = arith.sitofp %convert_element_type3A_1460 : vector<96x64xi32> to vector<96x64xf32>
    %reduce_sum3A_1462 = arith.constant dense<0.000000e+00> : vector<96xf32>
    %reduce_sum3A_1463 = vector.multi_reduction <add>, %convert_element_type3A_1461, %reduce_sum3A_1462 [1] : vector<96x64xf32> to vector<96xf32>
    %broadcast_in_dim3A_1464 = vector.shape_cast %reduce_sum3A_1463 : vector<96xf32> to vector<96x1xf32>
    %sub3A_1465 = arith.constant 1.000000e+00 : f32
    %sub3A_1466 = vector.broadcast %sub3A_1465 : f32 to vector<96x1xf32>
    %sub3A_1467 = arith.subf %broadcast_in_dim3A_1464, %sub3A_1466 : vector<96x1xf32>
    %convert_element_type3A_1468 = arith.fptosi %sub3A_1467 : vector<96x1xf32> to vector<96x1xi32>
    %swap3A_1469 = arith.constant 0 : index
    %swap3A_1470 = arith.constant 0 : index
    %swap3A_1471 = vector.load %arg7[%swap3A_1469, %swap3A_1470] : memref<96x1xi32, #tpu.memory_space<vmem>>, vector<96x1xi32>
    tpu.vector_store %arg7[%swap3A_1469, %swap3A_1470], %convert_element_type3A_1468 {strides = array<i32>} : memref<96x1xi32, #tpu.memory_space<vmem>>, vector<96x1xi32>,
    %reduce_sum3A_1472 = vector.shape_cast %mul3A_1413 : vector<1x64xf32> to vector<1x1x64xf32>
    %reduce_sum3A_1473 = arith.constant dense<0.000000e+00> : vector<1xf32>
    %reduce_sum3A_1474 = vector.multi_reduction <add>, %reduce_sum3A_1472, %reduce_sum3A_1473 [1, 2] : vector<1x1x64xf32> to vector<1xf32>
    %reduce_sum3A_1475 = vector.shape_cast %reduce_sum3A_1474 : vector<1xf32> to vector<1x1x1xf32>
    %reduce_sum3A_1476 = vector.extract %reduce_sum3A_1475[0, 0, 0] : f32 from vector<1x1x1xf32>
    %lt3A_1477 = vector.broadcast %reduce_sum3A_1476 : f32 to vector<96x1xf32>
    %lt3A_1478 = arith.cmpf olt, %mul3A_1456, %lt3A_1477 : vector<96x1xf32>
    %convert_element_type3A_1479 = arith.extui %lt3A_1478 : vector<96x1xi1> to vector<96x1xi32>
    %swap3A_1480 = arith.constant 0 : index
    %swap3A_1481 = arith.constant 0 : index
    %swap3A_1482 = vector.load %arg8[%swap3A_1480, %swap3A_1481] : memref<96x1xi32, #tpu.memory_space<vmem>>, vector<96x1xi32>
    tpu.vector_store %arg8[%swap3A_1480, %swap3A_1481], %convert_element_type3A_1479 {strides = array<i32>} : memref<96x1xi32, #tpu.memory_space<vmem>>, vector<96x1xi32>,
    return
  }
}

module attributes {stable_mosaic.version = 14 : i64} {
  func.func @_ffn_body(%arg0: i32, %arg1: memref<96x1xi32, #tpu.memory_space<smem>>, %arg2: memref<96x1xi32, #tpu.memory_space<smem>>, %arg3: memref<256x768xf32, #tpu.memory_space<vmem>>, %arg4: memref<1x768x512xf32, #tpu.memory_space<vmem>>, %arg5: memref<1x512x768xf32, #tpu.memory_space<vmem>>, %arg6: memref<256x768xf32, #tpu.memory_space<vmem>>) attributes {dimension_semantics = [#tpu.dimension_semantics<arbitrary>], iteration_bounds = array<i64: 96>, scalar_prefetch = 2 : i64, scratch_operands = 0 : i64, tpu.core_type = #tpu.core_type<tc>, window_params = [{transform_indices = @transform_0, window_bounds = array<i64: 256, 768>}, {transform_indices = @transform_1, window_bounds = array<i64: 1, 768, 512>}, {transform_indices = @transform_2, window_bounds = array<i64: 1, 512, 768>}, {transform_indices = @transform_3, window_bounds = array<i64: 256, 768>}]} {
    %get3A = arith.constant 0 : index
    %get3A_0 = arith.constant 0 : index
    %get3A_1 = vector.load %arg3[%get3A, %get3A_0] : memref<256x768xf32, #tpu.memory_space<vmem>>, vector<256x768xf32>
    %get3A_2 = arith.constant 0 : index
    %get3A_3 = arith.constant 0 : index
    %get3A_4 = arith.constant 0 : index
    %get3A_5 = vector.load %arg4[%get3A_2, %get3A_3, %get3A_4] : memref<1x768x512xf32, #tpu.memory_space<vmem>>, vector<1x768x512xf32>
    %get3A_6 = vector.shape_cast %get3A_5 : vector<1x768x512xf32> to vector<768x512xf32>
    %dot_general3A = arith.constant dense<0.000000e+00> : vector<256x512xf32>
    %dot_general3A_7 = tpu.matmul %get3A_1, %get3A_6, %dot_general3A {dimension_numbers = #tpu.dot_dimension_numbers<[1], [0], [0], [1], [0, 0, 1, 1], [], []>, transpose_lhs_hint = false} : vector<256x768xf32>, vector<768x512xf32>, vector<256x512xf32> -> vector<256x512xf32>
    %mul3A = arith.constant 5.000000e-01 : f32
    %mul3A_8 = vector.broadcast %mul3A : f32 to vector<256x512xf32>
    %mul3A_9 = arith.mulf %mul3A_8, %dot_general3A_7 : vector<256x512xf32>
    %mul3A_10 = arith.constant 0.707106769 : f32
    %mul3A_11 = vector.broadcast %mul3A_10 : f32 to vector<256x512xf32>
    %mul3A_12 = arith.mulf %dot_general3A_7, %mul3A_11 : vector<256x512xf32>
    %erf3A = math.erf %mul3A_12 : vector<256x512xf32>
    %add3A = arith.constant 1.000000e+00 : f32
    %add3A_13 = vector.broadcast %add3A : f32 to vector<256x512xf32>
    %add3A_14 = arith.addf %add3A_13, %erf3A : vector<256x512xf32>
    %mul3A_15 = arith.mulf %mul3A_9, %add3A_14 : vector<256x512xf32>
    %get3A_16 = arith.constant 0 : index
    %get3A_17 = arith.constant 0 : index
    %get3A_18 = arith.constant 0 : index
    %get3A_19 = vector.load %arg5[%get3A_16, %get3A_17, %get3A_18] : memref<1x512x768xf32, #tpu.memory_space<vmem>>, vector<1x512x768xf32>
    %get3A_20 = vector.shape_cast %get3A_19 : vector<1x512x768xf32> to vector<512x768xf32>
    %dot_general3A_21 = arith.constant dense<0.000000e+00> : vector<256x768xf32>
    %dot_general3A_22 = tpu.matmul %mul3A_15, %get3A_20, %dot_general3A_21 {dimension_numbers = #tpu.dot_dimension_numbers<[1], [0], [0], [1], [0, 0, 1, 1], [], []>, transpose_lhs_hint = false} : vector<256x512xf32>, vector<512x768xf32>, vector<256x768xf32> -> vector<256x768xf32>
    %swap3A = arith.constant 0 : index
    %swap3A_23 = arith.constant 0 : index
    %swap3A_24 = vector.load %arg6[%swap3A, %swap3A_23] : memref<256x768xf32, #tpu.memory_space<vmem>>, vector<256x768xf32>
    tpu.vector_store %arg6[%swap3A, %swap3A_23], %dot_general3A_22 {strides = array<i32>} : memref<256x768xf32, #tpu.memory_space<vmem>>, vector<256x768xf32>,
    return
  }
  func.func @transform_0(%arg0: i32, %arg1: memref<96x1xi32, #tpu.memory_space<smem>>, %arg2: memref<96x1xi32, #tpu.memory_space<smem>>) -> (i32, i32) {
    %c0_i32 = arith.constant 0 : i32
    %c0_i32_0 = arith.constant 0 : i32
    return %arg0, %c0_i32 : i32, i32
  }
  func.func @transform_1(%arg0: i32, %arg1: memref<96x1xi32, #tpu.memory_space<smem>>, %arg2: memref<96x1xi32, #tpu.memory_space<smem>>) -> (i32, i32, i32) {
    %get3A = arith.index_cast %arg0 : i32 to index
    %get3A_0 = arith.constant 0 : index
    %get3A_1 = memref.load %arg1[%get3A, %get3A_0] : memref<96x1xi32, #tpu.memory_space<smem>>
    %c0_i32 = arith.constant 0 : i32
    %c0_i32_2 = arith.constant 0 : i32
    %c0_i32_3 = arith.constant 0 : i32
    return %get3A_1, %c0_i32, %c0_i32_2 : i32, i32, i32
  }
  func.func @transform_2(%arg0: i32, %arg1: memref<96x1xi32, #tpu.memory_space<smem>>, %arg2: memref<96x1xi32, #tpu.memory_space<smem>>) -> (i32, i32, i32) {
    %get3A = arith.index_cast %arg0 : i32 to index
    %get3A_0 = arith.constant 0 : index
    %get3A_1 = memref.load %arg1[%get3A, %get3A_0] : memref<96x1xi32, #tpu.memory_space<smem>>
    %c0_i32 = arith.constant 0 : i32
    %c0_i32_2 = arith.constant 0 : i32
    %c0_i32_3 = arith.constant 0 : i32
    return %get3A_1, %c0_i32, %c0_i32_2 : i32, i32, i32
  }
  func.func @transform_3(%arg0: i32, %arg1: memref<96x1xi32, #tpu.memory_space<smem>>, %arg2: memref<96x1xi32, #tpu.memory_space<smem>>) -> (i32, i32) {
    %c0_i32 = arith.constant 0 : i32
    %c0_i32_0 = arith.constant 0 : i32
    return %arg0, %c0_i32 : i32, i32
  }
}

</mosaic_0001>

<sc_bundles>
// kernel: kernel.5.cloned.1.call-start
scs
__scs_entry_jumppad:
0x0: {  	(pc) =	sbr.rel $0x88, $3  }
0x1: {  	(tag) =	ssettag $0x0;
	lr =	simm.s32 $0x1  }
0x2: {  	[smem:$0x3F9B] =	sst lr;
	_ =	strace $0xD0000000  }
0x3: {  	_ = 	snop  }
0x4: {  	_ = 	snop  }
0x5: {  	_ = 	snop  }
0x6: {  	_ = 	snop  }
0x7: {  	_ = 	snop  }
__scs_overlays_trampoline_lowered:
0x8: {  	[smem:$0x3FAA] =	sst s0  }
0x9: {  	[smem:$0x3FAB] =	sst s1  }
0xa: {  	[smem:$0x3FAC] =	sst s2  }
0xb: {  	[smem:$0x3FAD] =	sst s3  }
0xc: {  	[smem:$0x3FAE] =	sst s4  }
0xd: {  	[smem:$0x3FAF] =	sst s5  }
0xe: {  	[smem:$0x3FB0] =	sst s6  }
0xf: {  	[smem:$0x3FB1] =	sst s7  }
0x10: {  	[smem:$0x3FB2] =	sst s8  }
0x11: {  	[smem:$0x3FB3] =	sst s9;
	s0 =	simm.s32 @!p0 $0x0  }
0x12: {  	s1 =	sld [smem:$0x3F99];
	s0 =	simm.s32 @p0 $0x1  }
0x13: {  	[smem:$0x3FB4] =	sst s0;
	s0 =	simm.s32 @!p1 $0x0  }
0x14: {  	s2 =	sld [smem:$0x3F98];
	s0 =	simm.s32 @p1 $0x1  }
0x15: {  	[smem:$0x3FB5] =	sst s0;
	s0 =	simm.s32 @!p2 $0x0  }
0x16: {  	s3 =	sld [smem:$0x3FDB];
	s0 =	simm.s32 @p2 $0x1  }
0x17: {  	s4 =	simm.s32 $0x1BF5;
	[smem:$0x3FB7] =	sst s0  }
0x18: {  	s0 =	sld [smem:$0x3F9A];
	_ =	swait.ge [sflag:s4], $0x0  }
0x19: {  	s7 =	sld [smem:$0x3F9B]  }
0x1a: {  	s8 =	sadd.s32 $0xFFFFE003, lr  }
0x1b: {  	s9 =	sadd.s32 $0xFFFFFEF7, lr;
	s5 =	simm.s32 $0xFFFFFFFF;
	p2 =	slt.u32 s8, $0xFFFFF086  }
0x1c: {  	p1 =	slt.u32 s9, $0xF7A;
	s5 =	simm.s32 @!p2 $0x0  }
0x1d: {  	s5 =	simm.s32 @p1 $0x1;
	p0 =	seq.s32 s7, s2  }
0x1e: {  	s7 =	smul.u32 @!p0 $0xF7A, s2;
	p2 =	seq.s32 @!p0 s5, $0x0  }
0x1f: {  	s9 =	smul.u32 $0xF7A, s1;
	s8 =	simm.s32 @!p0 $0x1BF5;
	p2 =	por !p2, p0  }
0x20: {  	[sflag:s8] =	ssyncset.s32 @!p0 $0xFFFFF086;
	s6 =	sadd.s32 @!p0 s3, s7;
	s7 =	simm.s32 @!p0 $0x108  }
0x21: {  	s3 =	sadd.s32 s3, s9;
	s6 =	sadd.s32 @!p0 $0x88, s6;
	s7 =	simm.s32 @p2 $0x1082  }
0x22: {  	[simem:s7], [sflag:s8] =	dma.local @!p0 [hbm:s6], $0xF7A  }
0x23: {  	s9 =	sor.u32 $0xD0000000, s2;
	s6 =	simm.s32 $0x108;
	_ =	swait.ge @!p0 [sflag:s8], $0x0  }
0x24: {  	s3 =	sadd.s32 $0x88, s3;
	s6 =	simm.s32 @!p1 $0x1082;
	[sflag:s4] =	ssyncset.s32 $0xFFFFF086  }
0x25: {  	[simem:s6], [sflag:s4] =	dma.local [hbm:s3], $0xF7A  }
0x26: {  	[smem:$0x3F9B] =	sst s1;
	(tag) =	ssettag s2;
	_ =	strace s9  }
0x27: {  	s1 =	sld [smem:$0x3FAB]  }
0x28: {  	s2 =	sld [smem:$0x3FAC]  }
0x29: {  	s4 =	sld [smem:$0x3FAE]  }
0x2a: {  	p0 =	seq.s32 s5, $0x0;
	s5 =	sld [smem:$0x3FAF]  }
0x2b: {  	s6 =	sld [smem:$0x3FB0]  }
0x2c: {  	s7 =	sld [smem:$0x3FB1]  }
0x2d: {  	s3 =	simm.s32 $0x108;
	s8 =	sld [smem:$0x3FB2]  }
0x2e: {  	s3 =	simm.s32 @!p0 $0x1082;
	s9 =	sld [smem:$0x3FB3]  }
0x2f: {  	lr =	sadd.s32 s0, s3;
	s0 =	sld [smem:$0x3FAA]  }
0x30: {  	s3 =	sld [smem:$0x3FAD]  }
0x31: {  	[smem:$0x3FB6] =	sst s10  }
0x32: {  	s10 =	sld [smem:$0x3FB4];
	_ =	sdelay $0x3  }
0x33: {  	p0 =	seq.s32 s10, $0x1;
	s10 =	sld [smem:$0x3FB6];
	_ =	sdelay $0x3  }
0x34: {  	[smem:$0x3FB6] =	sst s10  }
0x35: {  	s10 =	sld [smem:$0x3FB5];
	_ =	sdelay $0x3  }
0x36: {  	p1 =	seq.s32 s10, $0x1;
	s10 =	sld [smem:$0x3FB6];
	_ =	sdelay $0x3  }
0x37: {  	[smem:$0x3FB6] =	sst s10  }
0x38: {  	s10 =	sld [smem:$0x3FB7]  }
0x39: {  	_ = 	snop;
	(pc) =	sbr.ind lr, $3  }
0x3a: {  	_ = 	snop  }
0x3b: {  	_ = 	snop  }
0x3c: {  	p2 =	seq.s32 s10, $0x1;
	s10 =	sld [smem:$0x3FB6]  }
0x3d: {  	_ =	shalt  }
0x3e: {  	_ =	shalt  }
0x3f: {  	_ =	shalt  }
0x40: {  	_ =	shalt  }
0x41: {  	_ =	shalt  }
0x42: {  	_ =	shalt  }
0x43: {  	_ =	shalt  }
0x44: {  	_ =	shalt  }
0x45: {  	_ =	shalt  }
0x46: {  	_ =	shalt  }
0x47: {  	_ =	shalt  }
0x48: {  	_ =	shalt  }
0x49: {  	_ =	shalt  }
0x4a: {  	_ =	shalt  }
0x4b: {  	_ =	shalt  }
0x4c: {  	_ =	shalt  }
0x4d: {  	_ =	shalt  }
0x4e: {  	_ =	shalt  }
0x4f: {  	_ =	shalt  }
0x50: {  	_ =	shalt  }
0x51: {  	_ =	shalt  }
0x52: {  	_ =	shalt  }
0x53: {  	_ =	shalt  }
0x54: {  	_ =	shalt  }
0x55: {  	_ =	shalt  }
0x56: {  	_ =	shalt  }
0x57: {  	_ =	shalt  }
0x58: {  	_ =	shalt  }
0x59: {  	_ =	shalt  }
0x5a: {  	_ =	shalt  }
0x5b: {  	_ =	shalt  }
0x5c: {  	_ =	shalt  }
0x5d: {  	_ =	shalt  }
0x5e: {  	_ =	shalt  }
0x5f: {  	_ =	shalt  }
0x60: {  	_ =	shalt  }
0x61: {  	_ =	shalt  }
0x62: {  	_ =	shalt  }
0x63: {  	_ =	shalt  }
0x64: {  	_ =	shalt  }
0x65: {  	_ =	shalt  }
0x66: {  	_ =	shalt  }
0x67: {  	_ =	shalt  }
0x68: {  	_ =	shalt  }
0x69: {  	_ =	shalt  }
0x6a: {  	_ =	shalt  }
0x6b: {  	_ =	shalt  }
0x6c: {  	_ =	shalt  }
0x6d: {  	_ =	shalt  }
0x6e: {  	_ =	shalt  }
0x6f: {  	_ =	shalt  }
0x70: {  	_ =	shalt  }
0x71: {  	_ =	shalt  }
0x72: {  	_ =	shalt  }
0x73: {  	_ =	shalt  }
0x74: {  	_ =	shalt  }
0x75: {  	_ =	shalt  }
0x76: {  	_ =	shalt  }
0x77: {  	_ =	shalt  }
0x78: {  	_ =	shalt  }
0x79: {  	_ =	shalt  }
0x7a: {  	_ =	shalt  }
0x7b: {  	_ =	shalt  }
0x7c: {  	_ =	shalt  }
0x7d: {  	_ =	shalt  }
0x7e: {  	_ =	shalt  }
0x7f: {  	_ =	shalt  }
0x80: {  	_ =	shalt  }
0x81: {  	_ =	shalt  }
0x82: {  	_ =	shalt  }
0x83: {  	_ =	shalt  }
0x84: {  	_ =	shalt  }
0x85: {  	_ =	shalt  }
0x86: {  	_ =	shalt  }
0x87: {  	_ =	shalt  }
.Lfunc_end0:
.L_simem_size_0:
called_computation_lowered:
.L_overlay_start_0:
0x88: {  	s2 =	sld [smem:$0x3FD9]  }
0x89: {  	s3 =	sld [smem:$0x3FFE];
	_ =	sdelay $0x1  }
0x8a: {  	s1 =	srdreg.scid  }
0x8b: {  	s0 =	sand.u32 $0x1, s1  }
0x8c: {  	s17 =	sshll.u32 s0, $0xA;
	s2 =	sadd.s32 s3, s2  }
0x8d: {  	s2 =	sadd.s32 s2, s17  }
0x8e: {  	[smem:$0x3FC2] =	sst s2  }
0x8f: {  	_ = 	snop  }
0x90: {  	s2 =	sld [smem:$0x3FD0];
	(tm) =	ssettm $0x1  }
0x91: {  	s18 =	sld [smem:$0x3FFB];
	_ =	sdelay $0x3  }
0x92: {  	_ =	strace s18  }
0x93: {  	s3 =	sld [smem:$0x3FFC];
	_ =	sdelay $0x3  }
0x94: {  	_ =	strace s3  }
0x95: {  	s3 =	sld [smem:$0x3FFD];
	_ =	sdelay $0x3  }
0x96: {  	_ =	strace s3  }
0x97: {  	_ =	strace $0x8FFFFFFF  }
0x98: {  	s19 =	sld [smem:$0x3FDB];
	_ =	sdelay $0x1  }
0x99: {  	s4 =	simm.s32 $_scs_section_size  }
0x9a: {  	s5 =	simm.s32 $_size__tile_overlayer_lowered;
	s6 =	simm.s32 $_tile_overlayer_lowered  }
0x9b: {  	s22 =	simm.s32 $0x1BFF;
	s21 =	sshll.u32 s6, $0x1;
	s3 =	sadd.s32 s4, s19  }
0x9c: {  	s7 =	simm.s32 $0x0;
	s20 =	sshll.u32 s5, $0x1;
	s5 =	sadd.s32 s21, s3  }
0x9d: {  	[timem:s7], [sflag:s22] =	dma.local [hbm:s5], s20  }
0x9e: {  	_ =	swait.ge [sflag:s22], s20  }
0x9f: {  	s4 =	ssub.s32 $0x0, s20;
	[sflag:s22] =	ssyncset.done $0x0  }
0xa0: {  	[sflag:s22] =	ssyncadd.s32 s4;
	_ =	sdelay $0x1  }
0xa1: {  	s23 =	simm.s32 $0x1B8B  }
0xa2: {  	_ =	swait.ge [sflag:s23], $0x1  }
0xa3: {  	[sflag:s23] =	ssyncset.done $0x0  }
0xa4: {  	s25 =	simm.s32 $0x1B8E;
	s24 =	sld [smem:$0x3FFE];
	[sflag:s23] =	ssyncadd.s32 $0xFFFFFFFF  }
0xa5: {  	s26 =	simm.s32 $execute0_lowered;
	[smem:$0x3FD2] =	sst s25  }
0xa6: {  	s5 =	sshll.u32 s26, $0x1;
	_ =	strace $0x80000046;
	[dreg:$0x1] =	wrdreg $0xFFFFFFFF  }
0xa7: {  	s28 =	simm.s32 $_size_execute0_lowered;
	s3 =	sadd.s32 s3, s5;
	[dreg:$0x0] =	wrdreg $0x0  }
0xa8: {  	s5 =	sshll.u32 s28, $0x1;
	[dreg:$0x2] =	wrdreg s3  }
0xa9: {  	[dreg:$0x3] =	wrdreg s5  }
0xaa: {  	[dreg:$0x4] =	wrdreg $0xC0  }
0xab: {  	_ =	task [dreg:s7], $0x5FFFF  }
0xac: {  	[dreg:$0x1] =	wrdreg $0xFFFFFFFF  }
0xad: {  	[dreg:$0x0] =	wrdreg $0x60  }
0xae: {  	[dreg:$0x2] =	wrdreg s2  }
0xaf: {  	[dreg:$0x3] =	wrdreg s24  }
0xb0: {  	[dreg:$0x4] =	wrdreg $0x9  }
0xb1: {  	_ =	task.clear_ibuf [dreg:s7], $0x5FFFF;
	_ =	strace $0x90000046  }
0xb2: {  	s29 =	simm.s32 $0x9;
	_ =	strace $0x80000048  }
0xb3: {  	_ =	swait.ge [sflag:s29], $0x1  }
0xb4: {  	[sflag:s29] =	ssyncadd.s32 $0xFFFFFFFF  }
0xb5: {  	_ =	strace $0x90000048  }
0xb6: {  	_ =	sfence  }
0xb7: {  	s30 =	sld [smem:$0x0];
	_ =	sdelay $0x2  }
0xb8: {  	s31 =	sshll.u32 s1, $0xD;
	s1 =	sshrl.u32 s1, $0x2  }
0xb9: {  	s3 =	sand.u32 $0x4000, s31;
	s1 =	sadd.s32 s1, s30  }
0xba: {  	s0 =	sor.u32 s3, s0;
	s1 =	sshll.u32 s1, $0x11  }
0xbb: {  	s0 =	sor.u32 s1, s0  }
0xbc: {  	s0 =	sadd.s32 $0x8F2B, s0  }
0xbd: {  	[sflag:s0] =	ssyncadd.remote.s32 $0x1  }
0xbe: {  	_ =	sfence.sel $0xFFFF  }
0xbf: {  	[dreg:$0x0] =	wrdreg $0xFFFFFFFF;
	(pc) =	sbr.abs _section_cstart, $3  }
0xc0: {  	[dreg:$0x1] =	wrdreg $0xFFFFFFFF  }
0xc1: {  	_ =	task.clear_ibuf [dreg:s7], $0x2FFFF;
	_ =	strace $0x9FFFFFFF  }
0xc2: {  	(tm) =	ssettm $0x7FFFFFFF  }
0xc3: {  	_ =	shalt  }
tec
execute0_lowered:
.L_overlay_start_1:
0x0: {  	(tag) =	ssettag $0x1  }
0x1: {  	s0 =	srdreg.scid;
	s1 =	rddreg [dreg:$0x0]  }
0x2: {  	s2 =	stileid.u32;
	s5 =	rddreg [dreg:$0x1];
	s23 =	simm.s32 $0x880  }
0x3: {  	s24 =	simm.s32 $0x1080;
	s25 =	simm.s32 $0x1880;
	s26 =	simm.s32 $0x2080  }
0x4: {  	s9 =	simm.s32 $0x80;
	s10 =	simm.s32 $0x2880;
	s11 =	simm.s32 $0x3080  }
0x5: {  	s12 =	simm.s32 $0x3880;
	s13 =	simm.s32 $0x4080;
	s14 =	simm.s32 $0x4880  }
0x6: {  	s15 =	simm.s32 $0x5080;
	s16 =	simm.s32 $0x5880;
	s17 =	simm.s32 $0x6080  }
0x7: {  	s18 =	simm.s32 $0x6880;
	s19 =	simm.s32 $0x7080;
	s20 =	simm.s32 $0x7880  }
0x8: {  	s21 =	simm.s32 $0x8080;
	s28 =	simm.s32 $0xB080;
	s29 =	simm.s32 $0xB880  }
0x9: {  	s30 =	simm.s32 $0x1;
	s3 =	sshll.u32 s2, $0x9;
	s2 =	simm.s32 $0x0  }
0xa: {  	s31 =	simm.s32 $0x0;
	s0 =	sand.u32 $0x1, s0;
	[smem:$0x7FF] =	sst s2  }
0xb: {  	s4 =	sshll.u32 s0, $0x8;
	_ =	strace $0x80000047;
	[dreg:$0x4] =	wrdreg s23  }
0xc: {  	s0 =	ssub.s32 $0x2, s0;
	s6 =	sor.u32 s4, s3;
	[dreg:$0x5] =	wrdreg s24  }
0xd: {  	s22 =	sshrl.u32 s0, $0x1;
	s4 =	sadd.s32 $0xF00, s5;
	[dreg:$0x6] =	wrdreg s25  }
0xe: {  	[dreg:$0x7] =	wrdreg s26;
	s23 =	simm.s32 $0x9080;
	s24 =	simm.s32 $0x9880  }
0xf: {  	s25 =	simm.s32 $0xA080;
	s3 =	sshrl.u32 s6, $0x3;
	s6 =	sshrl.u32 s6, $0x8  }
0x10: {  	s26 =	simm.s32 $0xA880;
	s0 =	ssub.s32 s0, s22;
	s6 =	sand.u32 $0x7, s6  }
0x11: {  	s7 =	sadd.s32 s3, s5;
	s0 =	smax.u32 s0, $0x1;
	s8 =	smul.u32 $0x6000, s6  }
0x12: {  	v2 =	vlaneseq.u32;
	s22 =	simm.s32 $0x8880;
	s7 =	sadd.s32 $0xA00, s7;
	[dreg:$0x8] =	wrdreg s0  }
0x13: {  	vm0 =	vmmov $0xffff;
	v1 =	vshrl.u32 v2, $0x3;
	s3 =	sadd.s32 $0xE00, s5;
	[dreg:$0x3] =	wrdreg s7;
	s1 =	sadd.s32 s8, s1  }
0x14: {  	v0 =	vand.u32 $0x7, v2;
	v2 =	vor.u32 $0x8, v2;
	v1 =	vmul.u32 $0x8, v1;
	s5 =	sadd.s32 $0x1000, s5;
	s8 =	simm.s32 $0x2;
	[dreg:$0x9] =	wrdreg s1  }
.LBB2_1:
0x15: {  	s7 =	rddreg [dreg:$0x9];
	s0 =	simm.s32 $0x0  }
.LBB2_2:
0x16: {  	s6 =	rddreg [dreg:$0x3]  }
0x17: {  	s6 =	sadd.s32 s0, s6  }
0x18: {  	[tilespmem:s2], [sflag:$0x2] =	stream.linear.gather [hbm4b:s6+s2], $0x40, $0x38;
	[tilespmem:$0xC080] =	vst v63  }
0x19: {  	_ =	swait.ge [sflag:s8], $0x40  }
0x1a: {  	[sflag:s8] =	ssyncset.done $0x0  }
0x1b: {  	[sflag:s8] =	ssyncadd.s32 $0xFFFFFFC0  }
0x1c: {  	[tilespmem:s9], [sflag:$0x2] =	stream.linear.gather [hbm4b:s7+s2], $0xC000, $0x38;
	[tilespmem:$0xC080] =	vst v63  }
0x1d: {  	_ =	swait.ge [sflag:s8], $0xC000  }
0x1e: {  	[sflag:s8] =	ssyncset.done $0x0  }
0x1f: {  	[sflag:s8] =	ssyncadd.s32 $0xFFFF4000  }
0x20: {  	v3 =	vld [tilespmem:$0x0];
	_ =	sdelay $0x4  }
0x21: {  	v4 =	vshrl.u32 v3, $0x3  }
0x22: {  	v4 =	vmul.u32 $0x30, v4  }
0x23: {  	v3 =	vand.u32 $0x7, v3  }
0x24: {  	v3 =	vor.u32 v3, v4  }
0x25: {  	v4 =	vperm.xlane v3, v0;
	_ =	sdelay $0x1  }
0x26: {  	v4 =	vadd.s32 v1, v4;
	_ =	sdelay $0x3  }
0x27: {  	v3 =	vperm.xlane v3, v2  }
0x28: {  	[hbm4b:s3+s2] =	stream.indirect_vreg.scatter [tilespmem:s9], [sflag:$0x1], $0x80, v4, vm0, $0xb8;
	[tilespmem:$0xC080] =	vst v63  }
0x29: {  	s6 =	rddreg [dreg:$0x4];
	v3 =	vadd.s32 v1, v3  }
0x2a: {  	[hbm4b:s4+s2] =	stream.indirect_vreg.scatter [tilespmem:s6], [sflag:$0x1], $0x80, v4, vm0, $0xb8;
	[tilespmem:$0xC080] =	vst v63  }
0x2b: {  	s1 =	rddreg [dreg:$0x5]  }
0x2c: {  	[hbm4b:s5+s2] =	stream.indirect_vreg.scatter [tilespmem:s1], [sflag:$0x1], $0x80, v4, vm0, $0xb8;
	[tilespmem:$0xC080] =	vst v63  }
0x2d: {  	s6 =	rddreg [dreg:$0x6]  }
0x2e: {  	[hbm4b:s3+s2] =	stream.indirect_vreg.scatter [tilespmem:s6], [sflag:$0x1], $0x80, v3, vm0, $0xb8;
	[tilespmem:$0xC080] =	vst v63  }
0x2f: {  	s1 =	rddreg [dreg:$0x7]  }
0x30: {  	[hbm4b:s4+s2] =	stream.indirect_vreg.scatter [tilespmem:s1], [sflag:$0x1], $0x80, v3, vm0, $0xb8;
	[tilespmem:$0xC080] =	vst v63  }
0x31: {  	_ = 	snop  }
0x32: {  	[hbm4b:s5+s2] =	stream.indirect_vreg.scatter [tilespmem:s10], [sflag:$0x1], $0x80, v3, vm0, $0xb8;
	[tilespmem:$0xC080] =	vst v63  }
0x33: {  	v3 =	vld [tilespmem:$0x10];
	_ =	sdelay $0x4  }
0x34: {  	v61 =	vshrl.u32 v3, $0x3  }
0x35: {  	v4 =	vmul.u32 $0x30, v61  }
0x36: {  	v3 =	vand.u32 $0x7, v3  }
0x37: {  	v3 =	vor.u32 v3, v4  }
0x38: {  	v4 =	vperm.xlane v3, v0;
	_ =	sdelay $0x1  }
0x39: {  	v4 =	vadd.s32 v1, v4;
	_ =	sdelay $0x3  }
0x3a: {  	v3 =	vperm.xlane v3, v2  }
0x3b: {  	[hbm4b:s3+s2] =	stream.indirect_vreg.scatter [tilespmem:s11], [sflag:$0x1], $0x80, v4, vm0, $0xb8;
	[tilespmem:$0xC080] =	vst v63  }
0x3c: {  	v3 =	vadd.s32 v1, v3  }
0x3d: {  	[hbm4b:s4+s2] =	stream.indirect_vreg.scatter [tilespmem:s12], [sflag:$0x1], $0x80, v4, vm0, $0xb8;
	[tilespmem:$0xC080] =	vst v63  }
0x3e: {  	_ = 	snop  }
0x3f: {  	[hbm4b:s5+s2] =	stream.indirect_vreg.scatter [tilespmem:s13], [sflag:$0x1], $0x80, v4, vm0, $0xb8;
	[tilespmem:$0xC080] =	vst v63  }
0x40: {  	_ = 	snop  }
0x41: {  	[hbm4b:s3+s2] =	stream.indirect_vreg.scatter [tilespmem:s14], [sflag:$0x1], $0x80, v3, vm0, $0xb8;
	[tilespmem:$0xC080] =	vst v63  }
0x42: {  	_ = 	snop  }
0x43: {  	[hbm4b:s4+s2] =	stream.indirect_vreg.scatter [tilespmem:s15], [sflag:$0x1], $0x80, v3, vm0, $0xb8;
	[tilespmem:$0xC080] =	vst v63  }
0x44: {  	_ = 	snop  }
0x45: {  	[hbm4b:s5+s2] =	stream.indirect_vreg.scatter [tilespmem:s16], [sflag:$0x1], $0x80, v3, vm0, $0xb8;
	[tilespmem:$0xC080] =	vst v63  }
0x46: {  	v3 =	vld [tilespmem:$0x20];
	_ =	sdelay $0x4  }
0x47: {  	v62 =	vshrl.u32 v3, $0x3  }
0x48: {  	v4 =	vmul.u32 $0x30, v62  }
0x49: {  	v3 =	vand.u32 $0x7, v3  }
0x4a: {  	v3 =	vor.u32 v3, v4  }
0x4b: {  	v4 =	vperm.xlane v3, v0;
	_ =	sdelay $0x1  }
0x4c: {  	v4 =	vadd.s32 v1, v4;
	_ =	sdelay $0x3  }
0x4d: {  	v3 =	vperm.xlane v3, v2  }
0x4e: {  	[hbm4b:s3+s2] =	stream.indirect_vreg.scatter [tilespmem:s17], [sflag:$0x1], $0x80, v4, vm0, $0xb8;
	[tilespmem:$0xC080] =	vst v63  }
0x4f: {  	v3 =	vadd.s32 v1, v3  }
0x50: {  	[hbm4b:s4+s2] =	stream.indirect_vreg.scatter [tilespmem:s18], [sflag:$0x1], $0x80, v4, vm0, $0xb8;
	[tilespmem:$0xC080] =	vst v63  }
0x51: {  	_ = 	snop  }
0x52: {  	[hbm4b:s5+s2] =	stream.indirect_vreg.scatter [tilespmem:s19], [sflag:$0x1], $0x80, v4, vm0, $0xb8;
	[tilespmem:$0xC080] =	vst v63  }
0x53: {  	_ = 	snop  }
0x54: {  	[hbm4b:s3+s2] =	stream.indirect_vreg.scatter [tilespmem:s20], [sflag:$0x1], $0x80, v3, vm0, $0xb8;
	[tilespmem:$0xC080] =	vst v63  }
0x55: {  	_ = 	snop  }
0x56: {  	[hbm4b:s4+s2] =	stream.indirect_vreg.scatter [tilespmem:s21], [sflag:$0x1], $0x80, v3, vm0, $0xb8;
	[tilespmem:$0xC080] =	vst v63  }
0x57: {  	_ = 	snop  }
0x58: {  	[hbm4b:s5+s2] =	stream.indirect_vreg.scatter [tilespmem:s22], [sflag:$0x1], $0x80, v3, vm0, $0xb8;
	[tilespmem:$0xC080] =	vst v63  }
0x59: {  	v3 =	vld [tilespmem:$0x30];
	_ =	sdelay $0x4  }
0x5a: {  	v63 =	vshrl.u32 v3, $0x3  }
0x5b: {  	v4 =	vmul.u32 $0x30, v63  }
0x5c: {  	v3 =	vand.u32 $0x7, v3  }
0x5d: {  	v3 =	vor.u32 v3, v4  }
0x5e: {  	v4 =	vperm.xlane v3, v0;
	_ =	sdelay $0x1  }
0x5f: {  	v4 =	vadd.s32 v1, v4;
	_ =	sdelay $0x3  }
0x60: {  	v3 =	vperm.xlane v3, v2  }
0x61: {  	[hbm4b:s3+s2] =	stream.indirect_vreg.scatter [tilespmem:s23], [sflag:$0x1], $0x80, v4, vm0, $0xb8;
	[tilespmem:$0xC080] =	vst v63  }
0x62: {  	v3 =	vadd.s32 v1, v3  }
0x63: {  	[hbm4b:s4+s2] =	stream.indirect_vreg.scatter [tilespmem:s24], [sflag:$0x1], $0x80, v4, vm0, $0xb8;
	[tilespmem:$0xC080] =	vst v63  }
0x64: {  	_ = 	snop  }
0x65: {  	[hbm4b:s5+s2] =	stream.indirect_vreg.scatter [tilespmem:s25], [sflag:$0x1], $0x80, v4, vm0, $0xb8;
	[tilespmem:$0xC080] =	vst v63  }
0x66: {  	_ = 	snop  }
0x67: {  	[hbm4b:s3+s2] =	stream.indirect_vreg.scatter [tilespmem:s26], [sflag:$0x1], $0x80, v3, vm0, $0xb8;
	[tilespmem:$0xC080] =	vst v63  }
0x68: {  	p0 =	sne.s32 s0, $0x18  }
0x69: {  	[hbm4b:s4+s2] =	stream.indirect_vreg.scatter [tilespmem:s28], [sflag:$0x1], $0x80, v3, vm0, $0xb8;
	[tilespmem:$0xC080] =	vst v63  }
.Ltmp0:
0x6a: {  	_ = 	snop;
	(pc) =	sbr.rel @p0 .LBB2_2-.Ltmp0, $4  }
0x6b: {  	[hbm4b:s5+s2] =	stream.indirect_vreg.scatter [tilespmem:s29], [sflag:$0x1], $0x80, v3, vm0, $0xb8;
	[tilespmem:$0xC080] =	vst v63  }
0x6c: {  	_ =	swait.ge [sflag:s30], $0xC000  }
0x6d: {  	[sflag:s30] =	ssyncset.done $0x0  }
0x6e: {  	s0 =	sadd.s32 $0x8, s0;
	s7 =	sadd.s32 $0x1800, s7;
	[sflag:s30] =	ssyncadd.s32 $0xFFFF4000  }
0x6f: {  	s31 =	sadd.s32 $0x1, s31;
	s0 =	rddreg [dreg:$0x8]  }
0x70: {  	p0 =	sne.s32 s31, s0  }
.Ltmp1:
0x71: {  	_ = 	snop;
	(pc) =	sbr.rel @p0 .LBB2_1-.Ltmp1, $1  }
0x72: {  	_ =	sdelay $0x3  }
0x73: {  	_ =	sfence.sel $0x180000  }
0x74: {  	[bflag:$0x0] =	sbarrier.arrive $0xFFFF  }
0x75: {  	_ =	strace $0x90000047  }
0x76: {  	s0 =	stileid.u32;
	[bflag:$0x2] =	sbarrier.arrive $0xFFFF  }
0x77: {  	p0 =	sne.s32 s0, $0x0;
	s0 =	rddreg [dreg:$0x2]  }
0x78: {  	s0 =	sadd.s32 @!p0 $0x100000, s0  }
0x79: {  	[sflag:s0] =	ssyncadd.tile.s32 @!p0 $0x1;
	_ =	shalt  }
.Lfunc_end2:
_tile_overlayer_lowered:
.L_overlay_start_2:
0x7a: {  	(tag) =	ssettag $0x2  }
0x7b: {  	s0 =	rddreg [dreg:$0x0];
	s2 =	stileid.u32  }
0x7c: {  	s1 =	rddreg [dreg:$0x1];
	p0 =	sne.s32 s2, $0x0  }
0x7d: {  	s3 =	rddreg [dreg:$0x2];
	[bflag:$0x3] =	sbarrier.arrive $0xFFFF;
	s2 =	simm.s32 @!p0 $0x1C02  }
0x7e: {  	[timem:s3], [sflag:s2] =	dma.local @!p0 [hbm:s0], s1  }
0x7f: {  	s0 =	simm.s32 @!p0 $0x2  }
0x80: {  	_ =	swait.ge @!p0 [sflag:s0], s1  }
0x81: {  	s1 =	ssub.s32 @!p0 $0x0, s1;
	[sflag:s0] =	ssyncset.done @!p0 $0x0  }
0x82: {  	[sflag:s0] =	ssyncadd.s32 @!p0 s1  }
0x83: {  	[bflag:$0x3] =	sbarrier.arrive $0xFFFF  }
0x84: {  	_ =	shalt  }

</sc_bundles>
